<compile_context>
chip_gen: v7x
topology: tpu7x:2x2x1
jax: 0.10.2.dev20260603
libtpu: 0.0.44.dev20260713+nightly
codegen_flags: <defaults>
</compile_context>

<pallas_src>
import functools

import jax
import jax.numpy as jnp
from jax import lax
from jax.experimental import pallas as pl
from jax.experimental.pallas import tpu as pltpu
from jax.experimental.pallas import tpu_sc as plsc

_BATCH = 16384
_HIST = 50
_D = 64
_B = _BATCH * _HIST
_G = 128
_NUM_GROUPS = _B // _G

_info = plsc.get_sparse_core_info()
_NC, _NS = _info.num_cores, _info.num_subcores
_NW = _NC * _NS
_GPW = _NUM_GROUPS // _NW

_NBUF = 8
_LEAD = 4


def _embed_gather(table, idx2d):
    mesh = plsc.VectorSubcoreMesh(core_axis_name="c", subcore_axis_name="s")

    @functools.partial(
        pl.kernel,
        out_type=jax.ShapeDtypeStruct((_B, _D), jnp.float32),
        mesh=mesh,
        scratch_types=(
            [
                pltpu.VMEM((_GPW, _G), jnp.int32),
                pltpu.VMEM((_NBUF, _G, _D), jnp.float32),
            ]
            + [pltpu.SemaphoreType.DMA] * _NBUF
            + [pltpu.SemaphoreType.DMA] * _NBUF
        ),
        compiler_params=pltpu.CompilerParams(use_tc_tiling_on_sc=False),
    )
    def k(table_hbm, idx_hbm, out_hbm, idx_v, rows_v, *sems):
        gsem = sems[:_NBUF]
        ssem = sems[_NBUF:]
        wid = lax.axis_index("s") * _NC + lax.axis_index("c")
        g0 = wid * _GPW

        pltpu.sync_copy(idx_hbm.at[pl.ds(g0, _GPW)], idx_v)

        def gather(g, b):
            pltpu.async_copy(table_hbm.at[idx_v.at[g]], rows_v.at[b], gsem[b])

        def gather_wait(b):
            pltpu.make_async_copy(
                table_hbm.at[idx_v.at[0]], rows_v.at[b], gsem[b]
            ).wait()

        def scatter(g, b):
            pltpu.async_copy(
                rows_v.at[b], out_hbm.at[pl.ds((g0 + g) * _G, _G)], ssem[b]
            )

        def scatter_wait(b):
            pltpu.make_async_copy(
                rows_v.at[b], out_hbm.at[pl.ds(g0 * _G, _G)], ssem[b]
            ).wait()

        for b in range(_LEAD):
            gather(b, b)

        @pl.loop(0, _GPW, step=_NBUF)
        def _(s):
            for b in range(_NBUF):
                g = s + b
                gather_wait(b)
                scatter(g, b)
                nb = (b + _LEAD) % _NBUF
                ng = g + _LEAD

                @pl.when(ng < _GPW)
                def _():
                    @pl.when(ng >= _NBUF)
                    def _():
                        scatter_wait(nb)

                    gather(ng, nb)

        for b in range(_NBUF):
            scatter_wait(b)

    return k(table, idx2d)


def kernel(x, table):
    idx = x.reshape(_NUM_GROUPS, _G).astype(jnp.int32)
    out = _embed_gather(table, idx)
    return out.reshape(_BATCH, _HIST, _D)

# --- scband reference (transcript-rebuilt; emitter-appended) ---
"""Pipeline reference for scband-embedding-layer-41094247088300 (READ-ONLY COPY).

The authoritative reference and input builder live on the scoring server;
editing this copy changes nothing except your own understanding.
"""

import jax, jax.numpy as jnp
import numpy as np

NUM_EMBEDDINGS = 1000000
EMBED_DIM = 64
BATCH = 16384
HIST = 50

def setup_inputs(seed: int = 0) -> dict:
    key = jax.random.key(seed)
    k_idx, k_tab = jax.random.split(key)
    x = jax.random.randint(k_idx, (BATCH, HIST), 0, NUM_EMBEDDINGS + 1, dtype=jnp.int64)
    # Embedding table has num_embeddings + 1 rows (row 0 is padding_idx,
    # but init.orthogonal_ in the original module overwrites it, so it is not zero).
    table = jax.random.normal(k_tab, (NUM_EMBEDDINGS + 1, EMBED_DIM), dtype=jnp.float32) * 0.05
    return {"x": x, "table": table}

def reference(x, table):
    # nn.Embedding forward is a row gather: table[x]
    return jnp.take(table, x, axis=0)

if __name__ == "__main__":
    import jax
    _d = setup_inputs()
    print(jax.jit(kernel)(*tuple(_d.values())))

</pallas_src>

<mosaic_0001>
#map = affine_map<(d0, d1) -> (0, 0)>
module attributes {stable_mosaic.version = 14 : i64} {
  func.func @k(%arg0: i32, %arg1: i32, %arg2: memref<1000001x64xf32, #tpu.memory_space<hbm>>, %arg3: memref<6400x128xi32, #tpu.memory_space<hbm>>, %arg4: memref<819200x64xf32, #tpu.memory_space<hbm>>, %arg5: memref<200x128xi32, #tpu.memory_space<vmem>>, %arg6: memref<8x128x64xf32, #tpu.memory_space<vmem>>, %arg7: memref<!tpu.dma_semaphore, #tpu.memory_space<semaphore_mem>>, %arg8: memref<!tpu.dma_semaphore, #tpu.memory_space<semaphore_mem>>, %arg9: memref<!tpu.dma_semaphore, #tpu.memory_space<semaphore_mem>>, %arg10: memref<!tpu.dma_semaphore, #tpu.memory_space<semaphore_mem>>, %arg11: memref<!tpu.dma_semaphore, #tpu.memory_space<semaphore_mem>>, %arg12: memref<!tpu.dma_semaphore, #tpu.memory_space<semaphore_mem>>, %arg13: memref<!tpu.dma_semaphore, #tpu.memory_space<semaphore_mem>>, %arg14: memref<!tpu.dma_semaphore, #tpu.memory_space<semaphore_mem>>, %arg15: memref<!tpu.dma_semaphore, #tpu.memory_space<semaphore_mem>>, %arg16: memref<!tpu.dma_semaphore, #tpu.memory_space<semaphore_mem>>, %arg17: memref<!tpu.dma_semaphore, #tpu.memory_space<semaphore_mem>>, %arg18: memref<!tpu.dma_semaphore, #tpu.memory_space<semaphore_mem>>, %arg19: memref<!tpu.dma_semaphore, #tpu.memory_space<semaphore_mem>>, %arg20: memref<!tpu.dma_semaphore, #tpu.memory_space<semaphore_mem>>, %arg21: memref<!tpu.dma_semaphore, #tpu.memory_space<semaphore_mem>>, %arg22: memref<!tpu.dma_semaphore, #tpu.memory_space<semaphore_mem>>) attributes {dimension_semantics = [#tpu.dimension_semantics<core_parallel>, #tpu.dimension_semantics<subcore_parallel>], iteration_bounds = array<i64: 2, 16>, scalar_prefetch = 0 : i64, scratch_operands = 18 : i64, tpu.core_type = #tpu.core_type<sc_vector_subcore>, window_params = [{transform_indices = #map}, {transform_indices = #map}, {transform_indices = #map}]} {
    %mul3A = arith.constant 2 : i32
    %mul3A_0 = arith.muli %arg1, %mul3A : i32
    %add3A = arith.addi %mul3A_0, %arg0 : i32
    %mul3A_1 = arith.constant 200 : i32
    %mul3A_2 = arith.muli %add3A, %mul3A_1 : i32
    "tpu.region"() ({
      %run_scoped3A = tpu.sem_alloc : memref<!tpu.dma_semaphore, #tpu.memory_space<semaphore_mem>>
      %dma_start3A_173 = arith.constant 0 : i32
      %dma_start3A_174 = tpu.memref_slice %arg3[%mul3A_2, %dma_start3A_173] : memref<6400x128xi32, #tpu.memory_space<hbm>> -> memref<200x128xi32, #tpu.memory_space<hbm>>
      %dma_start3A_175 = arith.constant 0 : i32
      %dma_start3A_176 = tpu.memref_slice %arg3[%mul3A_2, %dma_start3A_175] : memref<6400x128xi32, #tpu.memory_space<hbm>> -> memref<200x128xi32, #tpu.memory_space<hbm>>
      tpu.enqueue_dma source(%dma_start3A_176 : memref<200x128xi32, #tpu.memory_space<hbm>>) target(%arg5 : memref<200x128xi32, #tpu.memory_space<vmem>>) target_semaphore(%run_scoped3A : memref<!tpu.dma_semaphore, #tpu.memory_space<semaphore_mem>>)
      %dma_wait3A_177 = arith.constant 0 : i32
      %dma_wait3A_178 = tpu.memref_slice %arg3[%mul3A_2, %dma_wait3A_177] : memref<6400x128xi32, #tpu.memory_space<hbm>> -> memref<200x128xi32, #tpu.memory_space<hbm>>
      %dma_wait3A_179 = arith.constant 0 : i32
      %dma_wait3A_180 = tpu.memref_slice %arg3[%mul3A_2, %dma_wait3A_179] : memref<6400x128xi32, #tpu.memory_space<hbm>> -> memref<200x128xi32, #tpu.memory_space<hbm>>
      tpu.wait_dma2 semaphore(%run_scoped3A : memref<!tpu.dma_semaphore, #tpu.memory_space<semaphore_mem>>) src(%dma_wait3A_180 : memref<200x128xi32, #tpu.memory_space<hbm>>) dst(%arg5 : memref<200x128xi32, #tpu.memory_space<vmem>>)
      tpu.yield
    }) : () -> ()
    %dma_start3A = arith.constant 0 : i32
    %dma_start3A_3 = arith.constant 0 : i32
    %dma_start3A_4 = arith.constant 0 : i32
    %dma_start3A_5 = arith.constant 0 : i32
    %dma_start3A_6 = tpu.memref_slice %arg6[%dma_start3A_3, %dma_start3A_4, %dma_start3A_5] : memref<8x128x64xf32, #tpu.memory_space<vmem>> -> memref<1x128x64xf32, #tpu.memory_space<vmem>>
    %dma_start3A_7 = tpu.memref_squeeze %dma_start3A_6 : memref<1x128x64xf32, #tpu.memory_space<vmem>> -> memref<128x64xf32, #tpu.memory_space<vmem>>
    %dma_start3A_8 = arith.constant 0 : i32
    %dma_start3A_9 = tpu.memref_slice %arg5[%dma_start3A, %dma_start3A_8] : memref<200x128xi32, #tpu.memory_space<vmem>> -> memref<1x128xi32, #tpu.memory_space<vmem>>
    %dma_start3A_10 = tpu.memref_squeeze %dma_start3A_9 : memref<1x128xi32, #tpu.memory_space<vmem>> -> memref<128xi32, #tpu.memory_space<vmem>>
    %dma_start3A_11 = arith.constant 0 : i32
    %dma_start3A_12 = arith.constant 0 : i32
    %dma_start3A_13 = tpu.memref_slice %arg2[%dma_start3A_11, %dma_start3A_12] : memref<1000001x64xf32, #tpu.memory_space<hbm>> -> memref<1000001x64xf32, #tpu.memory_space<hbm>>
    tpu.enqueue_indirect_dma source(%dma_start3A_13 : memref<1000001x64xf32, #tpu.memory_space<hbm>>) target(%dma_start3A_7 : memref<128x64xf32, #tpu.memory_space<vmem>>) offsets(%dma_start3A_10 : memref<128xi32, #tpu.memory_space<vmem>>) semaphore(%arg7 : memref<!tpu.dma_semaphore, #tpu.memory_space<semaphore_mem>>)
    %dma_start3A_14 = arith.constant 1 : i32
    %dma_start3A_15 = arith.constant 1 : i32
    %dma_start3A_16 = arith.constant 0 : i32
    %dma_start3A_17 = arith.constant 0 : i32
    %dma_start3A_18 = tpu.memref_slice %arg6[%dma_start3A_15, %dma_start3A_16, %dma_start3A_17] : memref<8x128x64xf32, #tpu.memory_space<vmem>> -> memref<1x128x64xf32, #tpu.memory_space<vmem>>
    %dma_start3A_19 = tpu.memref_squeeze %dma_start3A_18 : memref<1x128x64xf32, #tpu.memory_space<vmem>> -> memref<128x64xf32, #tpu.memory_space<vmem>>
    %dma_start3A_20 = arith.constant 0 : i32
    %dma_start3A_21 = tpu.memref_slice %arg5[%dma_start3A_14, %dma_start3A_20] : memref<200x128xi32, #tpu.memory_space<vmem>> -> memref<1x128xi32, #tpu.memory_space<vmem>>
    %dma_start3A_22 = tpu.memref_squeeze %dma_start3A_21 : memref<1x128xi32, #tpu.memory_space<vmem>> -> memref<128xi32, #tpu.memory_space<vmem>>
    %dma_start3A_23 = arith.constant 0 : i32
    %dma_start3A_24 = arith.constant 0 : i32
    %dma_start3A_25 = tpu.memref_slice %arg2[%dma_start3A_23, %dma_start3A_24] : memref<1000001x64xf32, #tpu.memory_space<hbm>> -> memref<1000001x64xf32, #tpu.memory_space<hbm>>
    tpu.enqueue_indirect_dma source(%dma_start3A_25 : memref<1000001x64xf32, #tpu.memory_space<hbm>>) target(%dma_start3A_19 : memref<128x64xf32, #tpu.memory_space<vmem>>) offsets(%dma_start3A_22 : memref<128xi32, #tpu.memory_space<vmem>>) semaphore(%arg8 : memref<!tpu.dma_semaphore, #tpu.memory_space<semaphore_mem>>)
    %dma_start3A_26 = arith.constant 2 : i32
    %dma_start3A_27 = arith.constant 2 : i32
    %dma_start3A_28 = arith.constant 0 : i32
    %dma_start3A_29 = arith.constant 0 : i32
    %dma_start3A_30 = tpu.memref_slice %arg6[%dma_start3A_27, %dma_start3A_28, %dma_start3A_29] : memref<8x128x64xf32, #tpu.memory_space<vmem>> -> memref<1x128x64xf32, #tpu.memory_space<vmem>>
    %dma_start3A_31 = tpu.memref_squeeze %dma_start3A_30 : memref<1x128x64xf32, #tpu.memory_space<vmem>> -> memref<128x64xf32, #tpu.memory_space<vmem>>
    %dma_start3A_32 = arith.constant 0 : i32
    %dma_start3A_33 = tpu.memref_slice %arg5[%dma_start3A_26, %dma_start3A_32] : memref<200x128xi32, #tpu.memory_space<vmem>> -> memref<1x128xi32, #tpu.memory_space<vmem>>
    %dma_start3A_34 = tpu.memref_squeeze %dma_start3A_33 : memref<1x128xi32, #tpu.memory_space<vmem>> -> memref<128xi32, #tpu.memory_space<vmem>>
    %dma_start3A_35 = arith.constant 0 : i32
    %dma_start3A_36 = arith.constant 0 : i32
    %dma_start3A_37 = tpu.memref_slice %arg2[%dma_start3A_35, %dma_start3A_36] : memref<1000001x64xf32, #tpu.memory_space<hbm>> -> memref<1000001x64xf32, #tpu.memory_space<hbm>>
    tpu.enqueue_indirect_dma source(%dma_start3A_37 : memref<1000001x64xf32, #tpu.memory_space<hbm>>) target(%dma_start3A_31 : memref<128x64xf32, #tpu.memory_space<vmem>>) offsets(%dma_start3A_34 : memref<128xi32, #tpu.memory_space<vmem>>) semaphore(%arg9 : memref<!tpu.dma_semaphore, #tpu.memory_space<semaphore_mem>>)
    %dma_start3A_38 = arith.constant 3 : i32
    %dma_start3A_39 = arith.constant 3 : i32
    %dma_start3A_40 = arith.constant 0 : i32
    %dma_start3A_41 = arith.constant 0 : i32
    %dma_start3A_42 = tpu.memref_slice %arg6[%dma_start3A_39, %dma_start3A_40, %dma_start3A_41] : memref<8x128x64xf32, #tpu.memory_space<vmem>> -> memref<1x128x64xf32, #tpu.memory_space<vmem>>
    %dma_start3A_43 = tpu.memref_squeeze %dma_start3A_42 : memref<1x128x64xf32, #tpu.memory_space<vmem>> -> memref<128x64xf32, #tpu.memory_space<vmem>>
    %dma_start3A_44 = arith.constant 0 : i32
    %dma_start3A_45 = tpu.memref_slice %arg5[%dma_start3A_38, %dma_start3A_44] : memref<200x128xi32, #tpu.memory_space<vmem>> -> memref<1x128xi32, #tpu.memory_space<vmem>>
    %dma_start3A_46 = tpu.memref_squeeze %dma_start3A_45 : memref<1x128xi32, #tpu.memory_space<vmem>> -> memref<128xi32, #tpu.memory_space<vmem>>
    %dma_start3A_47 = arith.constant 0 : i32
    %dma_start3A_48 = arith.constant 0 : i32
    %dma_start3A_49 = tpu.memref_slice %arg2[%dma_start3A_47, %dma_start3A_48] : memref<1000001x64xf32, #tpu.memory_space<hbm>> -> memref<1000001x64xf32, #tpu.memory_space<hbm>>
    tpu.enqueue_indirect_dma source(%dma_start3A_49 : memref<1000001x64xf32, #tpu.memory_space<hbm>>) target(%dma_start3A_43 : memref<128x64xf32, #tpu.memory_space<vmem>>) offsets(%dma_start3A_46 : memref<128xi32, #tpu.memory_space<vmem>>) semaphore(%arg10 : memref<!tpu.dma_semaphore, #tpu.memory_space<semaphore_mem>>)
    %scan3A = arith.constant 0 : i32
    %scan3A_50 = arith.constant 25 : i32
    %scan3A_51 = arith.addi %scan3A, %scan3A_50 : i32
    %scan3A_52 = arith.constant 1 : i32
    scf.for %scan3A_173 = %scan3A to %scan3A_51 step %scan3A_52  : i32 {
      %mul3A_174 = arith.constant 8 : i32
      %mul3A_175 = arith.muli %scan3A_173, %mul3A_174 : i32
      %add3A_176 = arith.constant 0 : i32
      %add3A_177 = arith.addi %add3A_176, %mul3A_175 : i32
      %add3A_178 = arith.constant 0 : i32
      %add3A_179 = arith.addi %add3A_177, %add3A_178 : i32
      %dma_wait3A_180 = arith.constant 0 : i32
      %dma_wait3A_181 = arith.constant 0 : i32
      %dma_wait3A_182 = arith.constant 0 : i32
      %dma_wait3A_183 = arith.constant 0 : i32
      %dma_wait3A_184 = tpu.memref_slice %arg6[%dma_wait3A_181, %dma_wait3A_182, %dma_wait3A_183] : memref<8x128x64xf32, #tpu.memory_space<vmem>> -> memref<1x128x64xf32, #tpu.memory_space<vmem>>
      %dma_wait3A_185 = tpu.memref_squeeze %dma_wait3A_184 : memref<1x128x64xf32, #tpu.memory_space<vmem>> -> memref<128x64xf32, #tpu.memory_space<vmem>>
      %dma_wait3A_186 = arith.constant 0 : i32
      %dma_wait3A_187 = tpu.memref_slice %arg5[%dma_wait3A_180, %dma_wait3A_186] : memref<200x128xi32, #tpu.memory_space<vmem>> -> memref<1x128xi32, #tpu.memory_space<vmem>>
      %dma_wait3A_188 = tpu.memref_squeeze %dma_wait3A_187 : memref<1x128xi32, #tpu.memory_space<vmem>> -> memref<128xi32, #tpu.memory_space<vmem>>
      %dma_wait3A_189 = arith.constant 0 : i32
      %dma_wait3A_190 = arith.constant 0 : i32
      %dma_wait3A_191 = tpu.memref_slice %arg2[%dma_wait3A_189, %dma_wait3A_190] : memref<1000001x64xf32, #tpu.memory_space<hbm>> -> memref<1000001x64xf32, #tpu.memory_space<hbm>>
      tpu.wait_indirect_dma semaphore(%arg7 : memref<!tpu.dma_semaphore, #tpu.memory_space<semaphore_mem>>) src(%dma_wait3A_191 : memref<1000001x64xf32, #tpu.memory_space<hbm>>) dst(%dma_wait3A_185 : memref<128x64xf32, #tpu.memory_space<vmem>>)
      %add3A_192 = arith.addi %mul3A_2, %add3A_179 : i32
      %mul3A_193 = arith.constant 128 : i32
      %mul3A_194 = arith.muli %add3A_192, %mul3A_193 : i32
      %dma_start3A_195 = arith.constant 0 : i32
      %dma_start3A_196 = arith.constant 0 : i32
      %dma_start3A_197 = arith.constant 0 : i32
      %dma_start3A_198 = tpu.memref_slice %arg6[%dma_start3A_195, %dma_start3A_196, %dma_start3A_197] : memref<8x128x64xf32, #tpu.memory_space<vmem>> -> memref<1x128x64xf32, #tpu.memory_space<vmem>>
      %dma_start3A_199 = tpu.memref_squeeze %dma_start3A_198 : memref<1x128x64xf32, #tpu.memory_space<vmem>> -> memref<128x64xf32, #tpu.memory_space<vmem>>
      %dma_start3A_200 = arith.constant 0 : i32
      %dma_start3A_201 = tpu.memref_slice %arg4[%mul3A_194, %dma_start3A_200] : memref<819200x64xf32, #tpu.memory_space<hbm>> -> memref<128x64xf32, #tpu.memory_space<hbm>>
      %dma_start3A_202 = arith.constant 0 : i32
      %dma_start3A_203 = tpu.memref_slice %arg4[%mul3A_194, %dma_start3A_202] : memref<819200x64xf32, #tpu.memory_space<hbm>> -> memref<128x64xf32, #tpu.memory_space<hbm>>
      %dma_start3A_204 = arith.constant 0 : i32
      %dma_start3A_205 = arith.constant 0 : i32
      %dma_start3A_206 = tpu.memref_slice %arg6[%dma_start3A_195, %dma_start3A_204, %dma_start3A_205] : memref<8x128x64xf32, #tpu.memory_space<vmem>> -> memref<1x128x64xf32, #tpu.memory_space<vmem>>
      %dma_start3A_207 = tpu.memref_squeeze %dma_start3A_206 : memref<1x128x64xf32, #tpu.memory_space<vmem>> -> memref<128x64xf32, #tpu.memory_space<vmem>>
      tpu.enqueue_dma source(%dma_start3A_207 : memref<128x64xf32, #tpu.memory_space<vmem>>) target(%dma_start3A_203 : memref<128x64xf32, #tpu.memory_space<hbm>>) target_semaphore(%arg15 : memref<!tpu.dma_semaphore, #tpu.memory_space<semaphore_mem>>)
      %add3A_208 = arith.constant 4 : i32
      %add3A_209 = arith.addi %add3A_179, %add3A_208 : i32
      %lt3A = arith.constant 200 : i32
      %lt3A_210 = arith.cmpi slt, %add3A_209, %lt3A : i32
      %convert_element_type3A = arith.extui %lt3A_210 : i1 to i32
      %cond3A = arith.constant 0 : i32
      %cond3A_211 = arith.cmpi ne, %convert_element_type3A, %cond3A : i32
      scf.if %cond3A_211 {
        %ge3A = arith.constant 8 : i32
        %ge3A_471 = arith.cmpi sge, %add3A_209, %ge3A : i32
        %convert_element_type3A_472 = arith.extui %ge3A_471 : i1 to i32
        %cond3A_473 = arith.constant 0 : i32
        %cond3A_474 = arith.cmpi ne, %convert_element_type3A_472, %cond3A_473 : i32
        scf.if %cond3A_474 {
          %mul3A_486 = arith.constant 128 : i32
          %mul3A_487 = arith.muli %mul3A_2, %mul3A_486 : i32
          %dma_wait3A_488 = arith.constant 4 : i32
          %dma_wait3A_489 = arith.constant 0 : i32
          %dma_wait3A_490 = arith.constant 0 : i32
          %dma_wait3A_491 = tpu.memref_slice %arg6[%dma_wait3A_488, %dma_wait3A_489, %dma_wait3A_490] : memref<8x128x64xf32, #tpu.memory_space<vmem>> -> memref<1x128x64xf32, #tpu.memory_space<vmem>>
          %dma_wait3A_492 = tpu.memref_squeeze %dma_wait3A_491 : memref<1x128x64xf32, #tpu.memory_space<vmem>> -> memref<128x64xf32, #tpu.memory_space<vmem>>
          %dma_wait3A_493 = arith.constant 0 : i32
          %dma_wait3A_494 = tpu.memref_slice %arg4[%mul3A_487, %dma_wait3A_493] : memref<819200x64xf32, #tpu.memory_space<hbm>> -> memref<128x64xf32, #tpu.memory_space<hbm>>
          %dma_wait3A_495 = arith.constant 0 : i32
          %dma_wait3A_496 = tpu.memref_slice %arg4[%mul3A_487, %dma_wait3A_495] : memref<819200x64xf32, #tpu.memory_space<hbm>> -> memref<128x64xf32, #tpu.memory_space<hbm>>
          %dma_wait3A_497 = arith.constant 0 : i32
          %dma_wait3A_498 = arith.constant 0 : i32
          %dma_wait3A_499 = tpu.memref_slice %arg6[%dma_wait3A_488, %dma_wait3A_497, %dma_wait3A_498] : memref<8x128x64xf32, #tpu.memory_space<vmem>> -> memref<1x128x64xf32, #tpu.memory_space<vmem>>
          %dma_wait3A_500 = tpu.memref_squeeze %dma_wait3A_499 : memref<1x128x64xf32, #tpu.memory_space<vmem>> -> memref<128x64xf32, #tpu.memory_space<vmem>>
          tpu.wait_dma2 semaphore(%arg19 : memref<!tpu.dma_semaphore, #tpu.memory_space<semaphore_mem>>) src(%dma_wait3A_500 : memref<128x64xf32, #tpu.memory_space<vmem>>) dst(%dma_wait3A_496 : memref<128x64xf32, #tpu.memory_space<hbm>>)
        } else {
        }
        %dma_start3A_475 = arith.constant 4 : i32
        %dma_start3A_476 = arith.constant 0 : i32
        %dma_start3A_477 = arith.constant 0 : i32
        %dma_start3A_478 = tpu.memref_slice %arg6[%dma_start3A_475, %dma_start3A_476, %dma_start3A_477] : memref<8x128x64xf32, #tpu.memory_space<vmem>> -> memref<1x128x64xf32, #tpu.memory_space<vmem>>
        %dma_start3A_479 = tpu.memref_squeeze %dma_start3A_478 : memref<1x128x64xf32, #tpu.memory_space<vmem>> -> memref<128x64xf32, #tpu.memory_space<vmem>>
        %dma_start3A_480 = arith.constant 0 : i32
        %dma_start3A_481 = tpu.memref_slice %arg5[%add3A_209, %dma_start3A_480] : memref<200x128xi32, #tpu.memory_space<vmem>> -> memref<1x128xi32, #tpu.memory_space<vmem>>
        %dma_start3A_482 = tpu.memref_squeeze %dma_start3A_481 : memref<1x128xi32, #tpu.memory_space<vmem>> -> memref<128xi32, #tpu.memory_space<vmem>>
        %dma_start3A_483 = arith.constant 0 : i32
        %dma_start3A_484 = arith.constant 0 : i32
        %dma_start3A_485 = tpu.memref_slice %arg2[%dma_start3A_483, %dma_start3A_484] : memref<1000001x64xf32, #tpu.memory_space<hbm>> -> memref<1000001x64xf32, #tpu.memory_space<hbm>>
        tpu.enqueue_indirect_dma source(%dma_start3A_485 : memref<1000001x64xf32, #tpu.memory_space<hbm>>) target(%dma_start3A_479 : memref<128x64xf32, #tpu.memory_space<vmem>>) offsets(%dma_start3A_482 : memref<128xi32, #tpu.memory_space<vmem>>) semaphore(%arg11 : memref<!tpu.dma_semaphore, #tpu.memory_space<semaphore_mem>>)
      } else {
      }
      %add3A_212 = arith.constant 1 : i32
      %add3A_213 = arith.addi %add3A_177, %add3A_212 : i32
      %dma_wait3A_214 = arith.constant 0 : i32
      %dma_wait3A_215 = arith.constant 1 : i32
      %dma_wait3A_216 = arith.constant 0 : i32
      %dma_wait3A_217 = arith.constant 0 : i32
      %dma_wait3A_218 = tpu.memref_slice %arg6[%dma_wait3A_215, %dma_wait3A_216, %dma_wait3A_217] : memref<8x128x64xf32, #tpu.memory_space<vmem>> -> memref<1x128x64xf32, #tpu.memory_space<vmem>>
      %dma_wait3A_219 = tpu.memref_squeeze %dma_wait3A_218 : memref<1x128x64xf32, #tpu.memory_space<vmem>> -> memref<128x64xf32, #tpu.memory_space<vmem>>
      %dma_wait3A_220 = arith.constant 0 : i32
      %dma_wait3A_221 = tpu.memref_slice %arg5[%dma_wait3A_214, %dma_wait3A_220] : memref<200x128xi32, #tpu.memory_space<vmem>> -> memref<1x128xi32, #tpu.memory_space<vmem>>
      %dma_wait3A_222 = tpu.memref_squeeze %dma_wait3A_221 : memref<1x128xi32, #tpu.memory_space<vmem>> -> memref<128xi32, #tpu.memory_space<vmem>>
      %dma_wait3A_223 = arith.constant 0 : i32
      %dma_wait3A_224 = arith.constant 0 : i32
      %dma_wait3A_225 = tpu.memref_slice %arg2[%dma_wait3A_223, %dma_wait3A_224] : memref<1000001x64xf32, #tpu.memory_space<hbm>> -> memref<1000001x64xf32, #tpu.memory_space<hbm>>
      tpu.wait_indirect_dma semaphore(%arg8 : memref<!tpu.dma_semaphore, #tpu.memory_space<semaphore_mem>>) src(%dma_wait3A_225 : memref<1000001x64xf32, #tpu.memory_space<hbm>>) dst(%dma_wait3A_219 : memref<128x64xf32, #tpu.memory_space<vmem>>)
      %add3A_226 = arith.addi %mul3A_2, %add3A_213 : i32
      %mul3A_227 = arith.constant 128 : i32
      %mul3A_228 = arith.muli %add3A_226, %mul3A_227 : i32
      %dma_start3A_229 = arith.constant 1 : i32
      %dma_start3A_230 = arith.constant 0 : i32
      %dma_start3A_231 = arith.constant 0 : i32
      %dma_start3A_232 = tpu.memref_slice %arg6[%dma_start3A_229, %dma_start3A_230, %dma_start3A_231] : memref<8x128x64xf32, #tpu.memory_space<vmem>> -> memref<1x128x64xf32, #tpu.memory_space<vmem>>
      %dma_start3A_233 = tpu.memref_squeeze %dma_start3A_232 : memref<1x128x64xf32, #tpu.memory_space<vmem>> -> memref<128x64xf32, #tpu.memory_space<vmem>>
      %dma_start3A_234 = arith.constant 0 : i32
      %dma_start3A_235 = tpu.memref_slice %arg4[%mul3A_228, %dma_start3A_234] : memref<819200x64xf32, #tpu.memory_space<hbm>> -> memref<128x64xf32, #tpu.memory_space<hbm>>
      %dma_start3A_236 = arith.constant 0 : i32
      %dma_start3A_237 = tpu.memref_slice %arg4[%mul3A_228, %dma_start3A_236] : memref<819200x64xf32, #tpu.memory_space<hbm>> -> memref<128x64xf32, #tpu.memory_space<hbm>>
      %dma_start3A_238 = arith.constant 0 : i32
      %dma_start3A_239 = arith.constant 0 : i32
      %dma_start3A_240 = tpu.memref_slice %arg6[%dma_start3A_229, %dma_start3A_238, %dma_start3A_239] : memref<8x128x64xf32, #tpu.memory_space<vmem>> -> memref<1x128x64xf32, #tpu.memory_space<vmem>>
      %dma_start3A_241 = tpu.memref_squeeze %dma_start3A_240 : memref<1x128x64xf32, #tpu.memory_space<vmem>> -> memref<128x64xf32, #tpu.memory_space<vmem>>
      tpu.enqueue_dma source(%dma_start3A_241 : memref<128x64xf32, #tpu.memory_space<vmem>>) target(%dma_start3A_237 : memref<128x64xf32, #tpu.memory_space<hbm>>) target_semaphore(%arg16 : memref<!tpu.dma_semaphore, #tpu.memory_space<semaphore_mem>>)
      %add3A_242 = arith.constant 4 : i32
      %add3A_243 = arith.addi %add3A_213, %add3A_242 : i32
      %lt3A_244 = arith.constant 200 : i32
      %lt3A_245 = arith.cmpi slt, %add3A_243, %lt3A_244 : i32
      %convert_element_type3A_246 = arith.extui %lt3A_245 : i1 to i32
      %cond3A_247 = arith.constant 0 : i32
      %cond3A_248 = arith.cmpi ne, %convert_element_type3A_246, %cond3A_247 : i32
      scf.if %cond3A_248 {
        %ge3A = arith.constant 8 : i32
        %ge3A_471 = arith.cmpi sge, %add3A_243, %ge3A : i32
        %convert_element_type3A_472 = arith.extui %ge3A_471 : i1 to i32
        %cond3A_473 = arith.constant 0 : i32
        %cond3A_474 = arith.cmpi ne, %convert_element_type3A_472, %cond3A_473 : i32
        scf.if %cond3A_474 {
          %mul3A_486 = arith.constant 128 : i32
          %mul3A_487 = arith.muli %mul3A_2, %mul3A_486 : i32
          %dma_wait3A_488 = arith.constant 5 : i32
          %dma_wait3A_489 = arith.constant 0 : i32
          %dma_wait3A_490 = arith.constant 0 : i32
          %dma_wait3A_491 = tpu.memref_slice %arg6[%dma_wait3A_488, %dma_wait3A_489, %dma_wait3A_490] : memref<8x128x64xf32, #tpu.memory_space<vmem>> -> memref<1x128x64xf32, #tpu.memory_space<vmem>>
          %dma_wait3A_492 = tpu.memref_squeeze %dma_wait3A_491 : memref<1x128x64xf32, #tpu.memory_space<vmem>> -> memref<128x64xf32, #tpu.memory_space<vmem>>
          %dma_wait3A_493 = arith.constant 0 : i32
          %dma_wait3A_494 = tpu.memref_slice %arg4[%mul3A_487, %dma_wait3A_493] : memref<819200x64xf32, #tpu.memory_space<hbm>> -> memref<128x64xf32, #tpu.memory_space<hbm>>
          %dma_wait3A_495 = arith.constant 0 : i32
          %dma_wait3A_496 = tpu.memref_slice %arg4[%mul3A_487, %dma_wait3A_495] : memref<819200x64xf32, #tpu.memory_space<hbm>> -> memref<128x64xf32, #tpu.memory_space<hbm>>
          %dma_wait3A_497 = arith.constant 0 : i32
          %dma_wait3A_498 = arith.constant 0 : i32
          %dma_wait3A_499 = tpu.memref_slice %arg6[%dma_wait3A_488, %dma_wait3A_497, %dma_wait3A_498] : memref<8x128x64xf32, #tpu.memory_space<vmem>> -> memref<1x128x64xf32, #tpu.memory_space<vmem>>
          %dma_wait3A_500 = tpu.memref_squeeze %dma_wait3A_499 : memref<1x128x64xf32, #tpu.memory_space<vmem>> -> memref<128x64xf32, #tpu.memory_space<vmem>>
          tpu.wait_dma2 semaphore(%arg20 : memref<!tpu.dma_semaphore, #tpu.memory_space<semaphore_mem>>) src(%dma_wait3A_500 : memref<128x64xf32, #tpu.memory_space<vmem>>) dst(%dma_wait3A_496 : memref<128x64xf32, #tpu.memory_space<hbm>>)
        } else {
        }
        %dma_start3A_475 = arith.constant 5 : i32
        %dma_start3A_476 = arith.constant 0 : i32
        %dma_start3A_477 = arith.constant 0 : i32
        %dma_start3A_478 = tpu.memref_slice %arg6[%dma_start3A_475, %dma_start3A_476, %dma_start3A_477] : memref<8x128x64xf32, #tpu.memory_space<vmem>> -> memref<1x128x64xf32, #tpu.memory_space<vmem>>
        %dma_start3A_479 = tpu.memref_squeeze %dma_start3A_478 : memref<1x128x64xf32, #tpu.memory_space<vmem>> -> memref<128x64xf32, #tpu.memory_space<vmem>>
        %dma_start3A_480 = arith.constant 0 : i32
        %dma_start3A_481 = tpu.memref_slice %arg5[%add3A_243, %dma_start3A_480] : memref<200x128xi32, #tpu.memory_space<vmem>> -> memref<1x128xi32, #tpu.memory_space<vmem>>
        %dma_start3A_482 = tpu.memref_squeeze %dma_start3A_481 : memref<1x128xi32, #tpu.memory_space<vmem>> -> memref<128xi32, #tpu.memory_space<vmem>>
        %dma_start3A_483 = arith.constant 0 : i32
        %dma_start3A_484 = arith.constant 0 : i32
        %dma_start3A_485 = tpu.memref_slice %arg2[%dma_start3A_483, %dma_start3A_484] : memref<1000001x64xf32, #tpu.memory_space<hbm>> -> memref<1000001x64xf32, #tpu.memory_space<hbm>>
        tpu.enqueue_indirect_dma source(%dma_start3A_485 : memref<1000001x64xf32, #tpu.memory_space<hbm>>) target(%dma_start3A_479 : memref<128x64xf32, #tpu.memory_space<vmem>>) offsets(%dma_start3A_482 : memref<128xi32, #tpu.memory_space<vmem>>) semaphore(%arg12 : memref<!tpu.dma_semaphore, #tpu.memory_space<semaphore_mem>>)
      } else {
      }
      %add3A_249 = arith.constant 2 : i32
      %add3A_250 = arith.addi %add3A_177, %add3A_249 : i32
      %dma_wait3A_251 = arith.constant 0 : i32
      %dma_wait3A_252 = arith.constant 2 : i32
      %dma_wait3A_253 = arith.constant 0 : i32
      %dma_wait3A_254 = arith.constant 0 : i32
      %dma_wait3A_255 = tpu.memref_slice %arg6[%dma_wait3A_252, %dma_wait3A_253, %dma_wait3A_254] : memref<8x128x64xf32, #tpu.memory_space<vmem>> -> memref<1x128x64xf32, #tpu.memory_space<vmem>>
      %dma_wait3A_256 = tpu.memref_squeeze %dma_wait3A_255 : memref<1x128x64xf32, #tpu.memory_space<vmem>> -> memref<128x64xf32, #tpu.memory_space<vmem>>
      %dma_wait3A_257 = arith.constant 0 : i32
      %dma_wait3A_258 = tpu.memref_slice %arg5[%dma_wait3A_251, %dma_wait3A_257] : memref<200x128xi32, #tpu.memory_space<vmem>> -> memref<1x128xi32, #tpu.memory_space<vmem>>
      %dma_wait3A_259 = tpu.memref_squeeze %dma_wait3A_258 : memref<1x128xi32, #tpu.memory_space<vmem>> -> memref<128xi32, #tpu.memory_space<vmem>>
      %dma_wait3A_260 = arith.constant 0 : i32
      %dma_wait3A_261 = arith.constant 0 : i32
      %dma_wait3A_262 = tpu.memref_slice %arg2[%dma_wait3A_260, %dma_wait3A_261] : memref<1000001x64xf32, #tpu.memory_space<hbm>> -> memref<1000001x64xf32, #tpu.memory_space<hbm>>
      tpu.wait_indirect_dma semaphore(%arg9 : memref<!tpu.dma_semaphore, #tpu.memory_space<semaphore_mem>>) src(%dma_wait3A_262 : memref<1000001x64xf32, #tpu.memory_space<hbm>>) dst(%dma_wait3A_256 : memref<128x64xf32, #tpu.memory_space<vmem>>)
      %add3A_263 = arith.addi %mul3A_2, %add3A_250 : i32
      %mul3A_264 = arith.constant 128 : i32
      %mul3A_265 = arith.muli %add3A_263, %mul3A_264 : i32
      %dma_start3A_266 = arith.constant 2 : i32
      %dma_start3A_267 = arith.constant 0 : i32
      %dma_start3A_268 = arith.constant 0 : i32
      %dma_start3A_269 = tpu.memref_slice %arg6[%dma_start3A_266, %dma_start3A_267, %dma_start3A_268] : memref<8x128x64xf32, #tpu.memory_space<vmem>> -> memref<1x128x64xf32, #tpu.memory_space<vmem>>
      %dma_start3A_270 = tpu.memref_squeeze %dma_start3A_269 : memref<1x128x64xf32, #tpu.memory_space<vmem>> -> memref<128x64xf32, #tpu.memory_space<vmem>>
      %dma_start3A_271 = arith.constant 0 : i32
      %dma_start3A_272 = tpu.memref_slice %arg4[%mul3A_265, %dma_start3A_271] : memref<819200x64xf32, #tpu.memory_space<hbm>> -> memref<128x64xf32, #tpu.memory_space<hbm>>
      %dma_start3A_273 = arith.constant 0 : i32
      %dma_start3A_274 = tpu.memref_slice %arg4[%mul3A_265, %dma_start3A_273] : memref<819200x64xf32, #tpu.memory_space<hbm>> -> memref<128x64xf32, #tpu.memory_space<hbm>>
      %dma_start3A_275 = arith.constant 0 : i32
      %dma_start3A_276 = arith.constant 0 : i32
      %dma_start3A_277 = tpu.memref_slice %arg6[%dma_start3A_266, %dma_start3A_275, %dma_start3A_276] : memref<8x128x64xf32, #tpu.memory_space<vmem>> -> memref<1x128x64xf32, #tpu.memory_space<vmem>>
      %dma_start3A_278 = tpu.memref_squeeze %dma_start3A_277 : memref<1x128x64xf32, #tpu.memory_space<vmem>> -> memref<128x64xf32, #tpu.memory_space<vmem>>
      tpu.enqueue_dma source(%dma_start3A_278 : memref<128x64xf32, #tpu.memory_space<vmem>>) target(%dma_start3A_274 : memref<128x64xf32, #tpu.memory_space<hbm>>) target_semaphore(%arg17 : memref<!tpu.dma_semaphore, #tpu.memory_space<semaphore_mem>>)
      %add3A_279 = arith.constant 4 : i32
      %add3A_280 = arith.addi %add3A_250, %add3A_279 : i32
      %lt3A_281 = arith.constant 200 : i32
      %lt3A_282 = arith.cmpi slt, %add3A_280, %lt3A_281 : i32
      %convert_element_type3A_283 = arith.extui %lt3A_282 : i1 to i32
      %cond3A_284 = arith.constant 0 : i32
      %cond3A_285 = arith.cmpi ne, %convert_element_type3A_283, %cond3A_284 : i32
      scf.if %cond3A_285 {
        %ge3A = arith.constant 8 : i32
        %ge3A_471 = arith.cmpi sge, %add3A_280, %ge3A : i32
        %convert_element_type3A_472 = arith.extui %ge3A_471 : i1 to i32
        %cond3A_473 = arith.constant 0 : i32
        %cond3A_474 = arith.cmpi ne, %convert_element_type3A_472, %cond3A_473 : i32
        scf.if %cond3A_474 {
          %mul3A_486 = arith.constant 128 : i32
          %mul3A_487 = arith.muli %mul3A_2, %mul3A_486 : i32
          %dma_wait3A_488 = arith.constant 6 : i32
          %dma_wait3A_489 = arith.constant 0 : i32
          %dma_wait3A_490 = arith.constant 0 : i32
          %dma_wait3A_491 = tpu.memref_slice %arg6[%dma_wait3A_488, %dma_wait3A_489, %dma_wait3A_490] : memref<8x128x64xf32, #tpu.memory_space<vmem>> -> memref<1x128x64xf32, #tpu.memory_space<vmem>>
          %dma_wait3A_492 = tpu.memref_squeeze %dma_wait3A_491 : memref<1x128x64xf32, #tpu.memory_space<vmem>> -> memref<128x64xf32, #tpu.memory_space<vmem>>
          %dma_wait3A_493 = arith.constant 0 : i32
          %dma_wait3A_494 = tpu.memref_slice %arg4[%mul3A_487, %dma_wait3A_493] : memref<819200x64xf32, #tpu.memory_space<hbm>> -> memref<128x64xf32, #tpu.memory_space<hbm>>
          %dma_wait3A_495 = arith.constant 0 : i32
          %dma_wait3A_496 = tpu.memref_slice %arg4[%mul3A_487, %dma_wait3A_495] : memref<819200x64xf32, #tpu.memory_space<hbm>> -> memref<128x64xf32, #tpu.memory_space<hbm>>
          %dma_wait3A_497 = arith.constant 0 : i32
          %dma_wait3A_498 = arith.constant 0 : i32
          %dma_wait3A_499 = tpu.memref_slice %arg6[%dma_wait3A_488, %dma_wait3A_497, %dma_wait3A_498] : memref<8x128x64xf32, #tpu.memory_space<vmem>> -> memref<1x128x64xf32, #tpu.memory_space<vmem>>
          %dma_wait3A_500 = tpu.memref_squeeze %dma_wait3A_499 : memref<1x128x64xf32, #tpu.memory_space<vmem>> -> memref<128x64xf32, #tpu.memory_space<vmem>>
          tpu.wait_dma2 semaphore(%arg21 : memref<!tpu.dma_semaphore, #tpu.memory_space<semaphore_mem>>) src(%dma_wait3A_500 : memref<128x64xf32, #tpu.memory_space<vmem>>) dst(%dma_wait3A_496 : memref<128x64xf32, #tpu.memory_space<hbm>>)
        } else {
        }
        %dma_start3A_475 = arith.constant 6 : i32
        %dma_start3A_476 = arith.constant 0 : i32
        %dma_start3A_477 = arith.constant 0 : i32
        %dma_start3A_478 = tpu.memref_slice %arg6[%dma_start3A_475, %dma_start3A_476, %dma_start3A_477] : memref<8x128x64xf32, #tpu.memory_space<vmem>> -> memref<1x128x64xf32, #tpu.memory_space<vmem>>
        %dma_start3A_479 = tpu.memref_squeeze %dma_start3A_478 : memref<1x128x64xf32, #tpu.memory_space<vmem>> -> memref<128x64xf32, #tpu.memory_space<vmem>>
        %dma_start3A_480 = arith.constant 0 : i32
        %dma_start3A_481 = tpu.memref_slice %arg5[%add3A_280, %dma_start3A_480] : memref<200x128xi32, #tpu.memory_space<vmem>> -> memref<1x128xi32, #tpu.memory_space<vmem>>
        %dma_start3A_482 = tpu.memref_squeeze %dma_start3A_481 : memref<1x128xi32, #tpu.memory_space<vmem>> -> memref<128xi32, #tpu.memory_space<vmem>>
        %dma_start3A_483 = arith.constant 0 : i32
        %dma_start3A_484 = arith.constant 0 : i32
        %dma_start3A_485 = tpu.memref_slice %arg2[%dma_start3A_483, %dma_start3A_484] : memref<1000001x64xf32, #tpu.memory_space<hbm>> -> memref<1000001x64xf32, #tpu.memory_space<hbm>>
        tpu.enqueue_indirect_dma source(%dma_start3A_485 : memref<1000001x64xf32, #tpu.memory_space<hbm>>) target(%dma_start3A_479 : memref<128x64xf32, #tpu.memory_space<vmem>>) offsets(%dma_start3A_482 : memref<128xi32, #tpu.memory_space<vmem>>) semaphore(%arg13 : memref<!tpu.dma_semaphore, #tpu.memory_space<semaphore_mem>>)
      } else {
      }
      %add3A_286 = arith.constant 3 : i32
      %add3A_287 = arith.addi %add3A_177, %add3A_286 : i32
      %dma_wait3A_288 = arith.constant 0 : i32
      %dma_wait3A_289 = arith.constant 3 : i32
      %dma_wait3A_290 = arith.constant 0 : i32
      %dma_wait3A_291 = arith.constant 0 : i32
      %dma_wait3A_292 = tpu.memref_slice %arg6[%dma_wait3A_289, %dma_wait3A_290, %dma_wait3A_291] : memref<8x128x64xf32, #tpu.memory_space<vmem>> -> memref<1x128x64xf32, #tpu.memory_space<vmem>>
      %dma_wait3A_293 = tpu.memref_squeeze %dma_wait3A_292 : memref<1x128x64xf32, #tpu.memory_space<vmem>> -> memref<128x64xf32, #tpu.memory_space<vmem>>
      %dma_wait3A_294 = arith.constant 0 : i32
      %dma_wait3A_295 = tpu.memref_slice %arg5[%dma_wait3A_288, %dma_wait3A_294] : memref<200x128xi32, #tpu.memory_space<vmem>> -> memref<1x128xi32, #tpu.memory_space<vmem>>
      %dma_wait3A_296 = tpu.memref_squeeze %dma_wait3A_295 : memref<1x128xi32, #tpu.memory_space<vmem>> -> memref<128xi32, #tpu.memory_space<vmem>>
      %dma_wait3A_297 = arith.constant 0 : i32
      %dma_wait3A_298 = arith.constant 0 : i32
      %dma_wait3A_299 = tpu.memref_slice %arg2[%dma_wait3A_297, %dma_wait3A_298] : memref<1000001x64xf32, #tpu.memory_space<hbm>> -> memref<1000001x64xf32, #tpu.memory_space<hbm>>
      tpu.wait_indirect_dma semaphore(%arg10 : memref<!tpu.dma_semaphore, #tpu.memory_space<semaphore_mem>>) src(%dma_wait3A_299 : memref<1000001x64xf32, #tpu.memory_space<hbm>>) dst(%dma_wait3A_293 : memref<128x64xf32, #tpu.memory_space<vmem>>)
      %add3A_300 = arith.addi %mul3A_2, %add3A_287 : i32
      %mul3A_301 = arith.constant 128 : i32
      %mul3A_302 = arith.muli %add3A_300, %mul3A_301 : i32
      %dma_start3A_303 = arith.constant 3 : i32
      %dma_start3A_304 = arith.constant 0 : i32
      %dma_start3A_305 = arith.constant 0 : i32
      %dma_start3A_306 = tpu.memref_slice %arg6[%dma_start3A_303, %dma_start3A_304, %dma_start3A_305] : memref<8x128x64xf32, #tpu.memory_space<vmem>> -> memref<1x128x64xf32, #tpu.memory_space<vmem>>
      %dma_start3A_307 = tpu.memref_squeeze %dma_start3A_306 : memref<1x128x64xf32, #tpu.memory_space<vmem>> -> memref<128x64xf32, #tpu.memory_space<vmem>>
      %dma_start3A_308 = arith.constant 0 : i32
      %dma_start3A_309 = tpu.memref_slice %arg4[%mul3A_302, %dma_start3A_308] : memref<819200x64xf32, #tpu.memory_space<hbm>> -> memref<128x64xf32, #tpu.memory_space<hbm>>
      %dma_start3A_310 = arith.constant 0 : i32
      %dma_start3A_311 = tpu.memref_slice %arg4[%mul3A_302, %dma_start3A_310] : memref<819200x64xf32, #tpu.memory_space<hbm>> -> memref<128x64xf32, #tpu.memory_space<hbm>>
      %dma_start3A_312 = arith.constant 0 : i32
      %dma_start3A_313 = arith.constant 0 : i32
      %dma_start3A_314 = tpu.memref_slice %arg6[%dma_start3A_303, %dma_start3A_312, %dma_start3A_313] : memref<8x128x64xf32, #tpu.memory_space<vmem>> -> memref<1x128x64xf32, #tpu.memory_space<vmem>>
      %dma_start3A_315 = tpu.memref_squeeze %dma_start3A_314 : memref<1x128x64xf32, #tpu.memory_space<vmem>> -> memref<128x64xf32, #tpu.memory_space<vmem>>
      tpu.enqueue_dma source(%dma_start3A_315 : memref<128x64xf32, #tpu.memory_space<vmem>>) target(%dma_start3A_311 : memref<128x64xf32, #tpu.memory_space<hbm>>) target_semaphore(%arg18 : memref<!tpu.dma_semaphore, #tpu.memory_space<semaphore_mem>>)
      %add3A_316 = arith.constant 4 : i32
      %add3A_317 = arith.addi %add3A_287, %add3A_316 : i32
      %lt3A_318 = arith.constant 200 : i32
      %lt3A_319 = arith.cmpi slt, %add3A_317, %lt3A_318 : i32
      %convert_element_type3A_320 = arith.extui %lt3A_319 : i1 to i32
      %cond3A_321 = arith.constant 0 : i32
      %cond3A_322 = arith.cmpi ne, %convert_element_type3A_320, %cond3A_321 : i32
      scf.if %cond3A_322 {
        %ge3A = arith.constant 8 : i32
        %ge3A_471 = arith.cmpi sge, %add3A_317, %ge3A : i32
        %convert_element_type3A_472 = arith.extui %ge3A_471 : i1 to i32
        %cond3A_473 = arith.constant 0 : i32
        %cond3A_474 = arith.cmpi ne, %convert_element_type3A_472, %cond3A_473 : i32
        scf.if %cond3A_474 {
          %mul3A_486 = arith.constant 128 : i32
          %mul3A_487 = arith.muli %mul3A_2, %mul3A_486 : i32
          %dma_wait3A_488 = arith.constant 7 : i32
          %dma_wait3A_489 = arith.constant 0 : i32
          %dma_wait3A_490 = arith.constant 0 : i32
          %dma_wait3A_491 = tpu.memref_slice %arg6[%dma_wait3A_488, %dma_wait3A_489, %dma_wait3A_490] : memref<8x128x64xf32, #tpu.memory_space<vmem>> -> memref<1x128x64xf32, #tpu.memory_space<vmem>>
          %dma_wait3A_492 = tpu.memref_squeeze %dma_wait3A_491 : memref<1x128x64xf32, #tpu.memory_space<vmem>> -> memref<128x64xf32, #tpu.memory_space<vmem>>
          %dma_wait3A_493 = arith.constant 0 : i32
          %dma_wait3A_494 = tpu.memref_slice %arg4[%mul3A_487, %dma_wait3A_493] : memref<819200x64xf32, #tpu.memory_space<hbm>> -> memref<128x64xf32, #tpu.memory_space<hbm>>
          %dma_wait3A_495 = arith.constant 0 : i32
          %dma_wait3A_496 = tpu.memref_slice %arg4[%mul3A_487, %dma_wait3A_495] : memref<819200x64xf32, #tpu.memory_space<hbm>> -> memref<128x64xf32, #tpu.memory_space<hbm>>
          %dma_wait3A_497 = arith.constant 0 : i32
          %dma_wait3A_498 = arith.constant 0 : i32
          %dma_wait3A_499 = tpu.memref_slice %arg6[%dma_wait3A_488, %dma_wait3A_497, %dma_wait3A_498] : memref<8x128x64xf32, #tpu.memory_space<vmem>> -> memref<1x128x64xf32, #tpu.memory_space<vmem>>
          %dma_wait3A_500 = tpu.memref_squeeze %dma_wait3A_499 : memref<1x128x64xf32, #tpu.memory_space<vmem>> -> memref<128x64xf32, #tpu.memory_space<vmem>>
          tpu.wait_dma2 semaphore(%arg22 : memref<!tpu.dma_semaphore, #tpu.memory_space<semaphore_mem>>) src(%dma_wait3A_500 : memref<128x64xf32, #tpu.memory_space<vmem>>) dst(%dma_wait3A_496 : memref<128x64xf32, #tpu.memory_space<hbm>>)
        } else {
        }
        %dma_start3A_475 = arith.constant 7 : i32
        %dma_start3A_476 = arith.constant 0 : i32
        %dma_start3A_477 = arith.constant 0 : i32
        %dma_start3A_478 = tpu.memref_slice %arg6[%dma_start3A_475, %dma_start3A_476, %dma_start3A_477] : memref<8x128x64xf32, #tpu.memory_space<vmem>> -> memref<1x128x64xf32, #tpu.memory_space<vmem>>
        %dma_start3A_479 = tpu.memref_squeeze %dma_start3A_478 : memref<1x128x64xf32, #tpu.memory_space<vmem>> -> memref<128x64xf32, #tpu.memory_space<vmem>>
        %dma_start3A_480 = arith.constant 0 : i32
        %dma_start3A_481 = tpu.memref_slice %arg5[%add3A_317, %dma_start3A_480] : memref<200x128xi32, #tpu.memory_space<vmem>> -> memref<1x128xi32, #tpu.memory_space<vmem>>
        %dma_start3A_482 = tpu.memref_squeeze %dma_start3A_481 : memref<1x128xi32, #tpu.memory_space<vmem>> -> memref<128xi32, #tpu.memory_space<vmem>>
        %dma_start3A_483 = arith.constant 0 : i32
        %dma_start3A_484 = arith.constant 0 : i32
        %dma_start3A_485 = tpu.memref_slice %arg2[%dma_start3A_483, %dma_start3A_484] : memref<1000001x64xf32, #tpu.memory_space<hbm>> -> memref<1000001x64xf32, #tpu.memory_space<hbm>>
        tpu.enqueue_indirect_dma source(%dma_start3A_485 : memref<1000001x64xf32, #tpu.memory_space<hbm>>) target(%dma_start3A_479 : memref<128x64xf32, #tpu.memory_space<vmem>>) offsets(%dma_start3A_482 : memref<128xi32, #tpu.memory_space<vmem>>) semaphore(%arg14 : memref<!tpu.dma_semaphore, #tpu.memory_space<semaphore_mem>>)
      } else {
      }
      %add3A_323 = arith.constant 4 : i32
      %add3A_324 = arith.addi %add3A_177, %add3A_323 : i32
      %dma_wait3A_325 = arith.constant 0 : i32
      %dma_wait3A_326 = arith.constant 4 : i32
      %dma_wait3A_327 = arith.constant 0 : i32
      %dma_wait3A_328 = arith.constant 0 : i32
      %dma_wait3A_329 = tpu.memref_slice %arg6[%dma_wait3A_326, %dma_wait3A_327, %dma_wait3A_328] : memref<8x128x64xf32, #tpu.memory_space<vmem>> -> memref<1x128x64xf32, #tpu.memory_space<vmem>>
      %dma_wait3A_330 = tpu.memref_squeeze %dma_wait3A_329 : memref<1x128x64xf32, #tpu.memory_space<vmem>> -> memref<128x64xf32, #tpu.memory_space<vmem>>
      %dma_wait3A_331 = arith.constant 0 : i32
      %dma_wait3A_332 = tpu.memref_slice %arg5[%dma_wait3A_325, %dma_wait3A_331] : memref<200x128xi32, #tpu.memory_space<vmem>> -> memref<1x128xi32, #tpu.memory_space<vmem>>
      %dma_wait3A_333 = tpu.memref_squeeze %dma_wait3A_332 : memref<1x128xi32, #tpu.memory_space<vmem>> -> memref<128xi32, #tpu.memory_space<vmem>>
      %dma_wait3A_334 = arith.constant 0 : i32
      %dma_wait3A_335 = arith.constant 0 : i32
      %dma_wait3A_336 = tpu.memref_slice %arg2[%dma_wait3A_334, %dma_wait3A_335] : memref<1000001x64xf32, #tpu.memory_space<hbm>> -> memref<1000001x64xf32, #tpu.memory_space<hbm>>
      tpu.wait_indirect_dma semaphore(%arg11 : memref<!tpu.dma_semaphore, #tpu.memory_space<semaphore_mem>>) src(%dma_wait3A_336 : memref<1000001x64xf32, #tpu.memory_space<hbm>>) dst(%dma_wait3A_330 : memref<128x64xf32, #tpu.memory_space<vmem>>)
      %add3A_337 = arith.addi %mul3A_2, %add3A_324 : i32
      %mul3A_338 = arith.constant 128 : i32
      %mul3A_339 = arith.muli %add3A_337, %mul3A_338 : i32
      %dma_start3A_340 = arith.constant 4 : i32
      %dma_start3A_341 = arith.constant 0 : i32
      %dma_start3A_342 = arith.constant 0 : i32
      %dma_start3A_343 = tpu.memref_slice %arg6[%dma_start3A_340, %dma_start3A_341, %dma_start3A_342] : memref<8x128x64xf32, #tpu.memory_space<vmem>> -> memref<1x128x64xf32, #tpu.memory_space<vmem>>
      %dma_start3A_344 = tpu.memref_squeeze %dma_start3A_343 : memref<1x128x64xf32, #tpu.memory_space<vmem>> -> memref<128x64xf32, #tpu.memory_space<vmem>>
      %dma_start3A_345 = arith.constant 0 : i32
      %dma_start3A_346 = tpu.memref_slice %arg4[%mul3A_339, %dma_start3A_345] : memref<819200x64xf32, #tpu.memory_space<hbm>> -> memref<128x64xf32, #tpu.memory_space<hbm>>
      %dma_start3A_347 = arith.constant 0 : i32
      %dma_start3A_348 = tpu.memref_slice %arg4[%mul3A_339, %dma_start3A_347] : memref<819200x64xf32, #tpu.memory_space<hbm>> -> memref<128x64xf32, #tpu.memory_space<hbm>>
      %dma_start3A_349 = arith.constant 0 : i32
      %dma_start3A_350 = arith.constant 0 : i32
      %dma_start3A_351 = tpu.memref_slice %arg6[%dma_start3A_340, %dma_start3A_349, %dma_start3A_350] : memref<8x128x64xf32, #tpu.memory_space<vmem>> -> memref<1x128x64xf32, #tpu.memory_space<vmem>>
      %dma_start3A_352 = tpu.memref_squeeze %dma_start3A_351 : memref<1x128x64xf32, #tpu.memory_space<vmem>> -> memref<128x64xf32, #tpu.memory_space<vmem>>
      tpu.enqueue_dma source(%dma_start3A_352 : memref<128x64xf32, #tpu.memory_space<vmem>>) target(%dma_start3A_348 : memref<128x64xf32, #tpu.memory_space<hbm>>) target_semaphore(%arg19 : memref<!tpu.dma_semaphore, #tpu.memory_space<semaphore_mem>>)
      %add3A_353 = arith.constant 4 : i32
      %add3A_354 = arith.addi %add3A_324, %add3A_353 : i32
      %lt3A_355 = arith.constant 200 : i32
      %lt3A_356 = arith.cmpi slt, %add3A_354, %lt3A_355 : i32
      %convert_element_type3A_357 = arith.extui %lt3A_356 : i1 to i32
      %cond3A_358 = arith.constant 0 : i32
      %cond3A_359 = arith.cmpi ne, %convert_element_type3A_357, %cond3A_358 : i32
      scf.if %cond3A_359 {
        %ge3A = arith.constant 8 : i32
        %ge3A_471 = arith.cmpi sge, %add3A_354, %ge3A : i32
        %convert_element_type3A_472 = arith.extui %ge3A_471 : i1 to i32
        %cond3A_473 = arith.constant 0 : i32
        %cond3A_474 = arith.cmpi ne, %convert_element_type3A_472, %cond3A_473 : i32
        scf.if %cond3A_474 {
          %mul3A_486 = arith.constant 128 : i32
          %mul3A_487 = arith.muli %mul3A_2, %mul3A_486 : i32
          %dma_wait3A_488 = arith.constant 0 : i32
          %dma_wait3A_489 = arith.constant 0 : i32
          %dma_wait3A_490 = arith.constant 0 : i32
          %dma_wait3A_491 = tpu.memref_slice %arg6[%dma_wait3A_488, %dma_wait3A_489, %dma_wait3A_490] : memref<8x128x64xf32, #tpu.memory_space<vmem>> -> memref<1x128x64xf32, #tpu.memory_space<vmem>>
          %dma_wait3A_492 = tpu.memref_squeeze %dma_wait3A_491 : memref<1x128x64xf32, #tpu.memory_space<vmem>> -> memref<128x64xf32, #tpu.memory_space<vmem>>
          %dma_wait3A_493 = arith.constant 0 : i32
          %dma_wait3A_494 = tpu.memref_slice %arg4[%mul3A_487, %dma_wait3A_493] : memref<819200x64xf32, #tpu.memory_space<hbm>> -> memref<128x64xf32, #tpu.memory_space<hbm>>
          %dma_wait3A_495 = arith.constant 0 : i32
          %dma_wait3A_496 = tpu.memref_slice %arg4[%mul3A_487, %dma_wait3A_495] : memref<819200x64xf32, #tpu.memory_space<hbm>> -> memref<128x64xf32, #tpu.memory_space<hbm>>
          %dma_wait3A_497 = arith.constant 0 : i32
          %dma_wait3A_498 = arith.constant 0 : i32
          %dma_wait3A_499 = tpu.memref_slice %arg6[%dma_wait3A_488, %dma_wait3A_497, %dma_wait3A_498] : memref<8x128x64xf32, #tpu.memory_space<vmem>> -> memref<1x128x64xf32, #tpu.memory_space<vmem>>
          %dma_wait3A_500 = tpu.memref_squeeze %dma_wait3A_499 : memref<1x128x64xf32, #tpu.memory_space<vmem>> -> memref<128x64xf32, #tpu.memory_space<vmem>>
          tpu.wait_dma2 semaphore(%arg15 : memref<!tpu.dma_semaphore, #tpu.memory_space<semaphore_mem>>) src(%dma_wait3A_500 : memref<128x64xf32, #tpu.memory_space<vmem>>) dst(%dma_wait3A_496 : memref<128x64xf32, #tpu.memory_space<hbm>>)
        } else {
        }
        %dma_start3A_475 = arith.constant 0 : i32
        %dma_start3A_476 = arith.constant 0 : i32
        %dma_start3A_477 = arith.constant 0 : i32
        %dma_start3A_478 = tpu.memref_slice %arg6[%dma_start3A_475, %dma_start3A_476, %dma_start3A_477] : memref<8x128x64xf32, #tpu.memory_space<vmem>> -> memref<1x128x64xf32, #tpu.memory_space<vmem>>
        %dma_start3A_479 = tpu.memref_squeeze %dma_start3A_478 : memref<1x128x64xf32, #tpu.memory_space<vmem>> -> memref<128x64xf32, #tpu.memory_space<vmem>>
        %dma_start3A_480 = arith.constant 0 : i32
        %dma_start3A_481 = tpu.memref_slice %arg5[%add3A_354, %dma_start3A_480] : memref<200x128xi32, #tpu.memory_space<vmem>> -> memref<1x128xi32, #tpu.memory_space<vmem>>
        %dma_start3A_482 = tpu.memref_squeeze %dma_start3A_481 : memref<1x128xi32, #tpu.memory_space<vmem>> -> memref<128xi32, #tpu.memory_space<vmem>>
        %dma_start3A_483 = arith.constant 0 : i32
        %dma_start3A_484 = arith.constant 0 : i32
        %dma_start3A_485 = tpu.memref_slice %arg2[%dma_start3A_483, %dma_start3A_484] : memref<1000001x64xf32, #tpu.memory_space<hbm>> -> memref<1000001x64xf32, #tpu.memory_space<hbm>>
        tpu.enqueue_indirect_dma source(%dma_start3A_485 : memref<1000001x64xf32, #tpu.memory_space<hbm>>) target(%dma_start3A_479 : memref<128x64xf32, #tpu.memory_space<vmem>>) offsets(%dma_start3A_482 : memref<128xi32, #tpu.memory_space<vmem>>) semaphore(%arg7 : memref<!tpu.dma_semaphore, #tpu.memory_space<semaphore_mem>>)
      } else {
      }
      %add3A_360 = arith.constant 5 : i32
      %add3A_361 = arith.addi %add3A_177, %add3A_360 : i32
      %dma_wait3A_362 = arith.constant 0 : i32
      %dma_wait3A_363 = arith.constant 5 : i32
      %dma_wait3A_364 = arith.constant 0 : i32
      %dma_wait3A_365 = arith.constant 0 : i32
      %dma_wait3A_366 = tpu.memref_slice %arg6[%dma_wait3A_363, %dma_wait3A_364, %dma_wait3A_365] : memref<8x128x64xf32, #tpu.memory_space<vmem>> -> memref<1x128x64xf32, #tpu.memory_space<vmem>>
      %dma_wait3A_367 = tpu.memref_squeeze %dma_wait3A_366 : memref<1x128x64xf32, #tpu.memory_space<vmem>> -> memref<128x64xf32, #tpu.memory_space<vmem>>
      %dma_wait3A_368 = arith.constant 0 : i32
      %dma_wait3A_369 = tpu.memref_slice %arg5[%dma_wait3A_362, %dma_wait3A_368] : memref<200x128xi32, #tpu.memory_space<vmem>> -> memref<1x128xi32, #tpu.memory_space<vmem>>
      %dma_wait3A_370 = tpu.memref_squeeze %dma_wait3A_369 : memref<1x128xi32, #tpu.memory_space<vmem>> -> memref<128xi32, #tpu.memory_space<vmem>>
      %dma_wait3A_371 = arith.constant 0 : i32
      %dma_wait3A_372 = arith.constant 0 : i32
      %dma_wait3A_373 = tpu.memref_slice %arg2[%dma_wait3A_371, %dma_wait3A_372] : memref<1000001x64xf32, #tpu.memory_space<hbm>> -> memref<1000001x64xf32, #tpu.memory_space<hbm>>
      tpu.wait_indirect_dma semaphore(%arg12 : memref<!tpu.dma_semaphore, #tpu.memory_space<semaphore_mem>>) src(%dma_wait3A_373 : memref<1000001x64xf32, #tpu.memory_space<hbm>>) dst(%dma_wait3A_367 : memref<128x64xf32, #tpu.memory_space<vmem>>)
      %add3A_374 = arith.addi %mul3A_2, %add3A_361 : i32
      %mul3A_375 = arith.constant 128 : i32
      %mul3A_376 = arith.muli %add3A_374, %mul3A_375 : i32
      %dma_start3A_377 = arith.constant 5 : i32
      %dma_start3A_378 = arith.constant 0 : i32
      %dma_start3A_379 = arith.constant 0 : i32
      %dma_start3A_380 = tpu.memref_slice %arg6[%dma_start3A_377, %dma_start3A_378, %dma_start3A_379] : memref<8x128x64xf32, #tpu.memory_space<vmem>> -> memref<1x128x64xf32, #tpu.memory_space<vmem>>
      %dma_start3A_381 = tpu.memref_squeeze %dma_start3A_380 : memref<1x128x64xf32, #tpu.memory_space<vmem>> -> memref<128x64xf32, #tpu.memory_space<vmem>>
      %dma_start3A_382 = arith.constant 0 : i32
      %dma_start3A_383 = tpu.memref_slice %arg4[%mul3A_376, %dma_start3A_382] : memref<819200x64xf32, #tpu.memory_space<hbm>> -> memref<128x64xf32, #tpu.memory_space<hbm>>
      %dma_start3A_384 = arith.constant 0 : i32
      %dma_start3A_385 = tpu.memref_slice %arg4[%mul3A_376, %dma_start3A_384] : memref<819200x64xf32, #tpu.memory_space<hbm>> -> memref<128x64xf32, #tpu.memory_space<hbm>>
      %dma_start3A_386 = arith.constant 0 : i32
      %dma_start3A_387 = arith.constant 0 : i32
      %dma_start3A_388 = tpu.memref_slice %arg6[%dma_start3A_377, %dma_start3A_386, %dma_start3A_387] : memref<8x128x64xf32, #tpu.memory_space<vmem>> -> memref<1x128x64xf32, #tpu.memory_space<vmem>>
      %dma_start3A_389 = tpu.memref_squeeze %dma_start3A_388 : memref<1x128x64xf32, #tpu.memory_space<vmem>> -> memref<128x64xf32, #tpu.memory_space<vmem>>
      tpu.enqueue_dma source(%dma_start3A_389 : memref<128x64xf32, #tpu.memory_space<vmem>>) target(%dma_start3A_385 : memref<128x64xf32, #tpu.memory_space<hbm>>) target_semaphore(%arg20 : memref<!tpu.dma_semaphore, #tpu.memory_space<semaphore_mem>>)
      %add3A_390 = arith.constant 4 : i32
      %add3A_391 = arith.addi %add3A_361, %add3A_390 : i32
      %lt3A_392 = arith.constant 200 : i32
      %lt3A_393 = arith.cmpi slt, %add3A_391, %lt3A_392 : i32
      %convert_element_type3A_394 = arith.extui %lt3A_393 : i1 to i32
      %cond3A_395 = arith.constant 0 : i32
      %cond3A_396 = arith.cmpi ne, %convert_element_type3A_394, %cond3A_395 : i32
      scf.if %cond3A_396 {
        %ge3A = arith.constant 8 : i32
        %ge3A_471 = arith.cmpi sge, %add3A_391, %ge3A : i32
        %convert_element_type3A_472 = arith.extui %ge3A_471 : i1 to i32
        %cond3A_473 = arith.constant 0 : i32
        %cond3A_474 = arith.cmpi ne, %convert_element_type3A_472, %cond3A_473 : i32
        scf.if %cond3A_474 {
          %mul3A_486 = arith.constant 128 : i32
          %mul3A_487 = arith.muli %mul3A_2, %mul3A_486 : i32
          %dma_wait3A_488 = arith.constant 1 : i32
          %dma_wait3A_489 = arith.constant 0 : i32
          %dma_wait3A_490 = arith.constant 0 : i32
          %dma_wait3A_491 = tpu.memref_slice %arg6[%dma_wait3A_488, %dma_wait3A_489, %dma_wait3A_490] : memref<8x128x64xf32, #tpu.memory_space<vmem>> -> memref<1x128x64xf32, #tpu.memory_space<vmem>>
          %dma_wait3A_492 = tpu.memref_squeeze %dma_wait3A_491 : memref<1x128x64xf32, #tpu.memory_space<vmem>> -> memref<128x64xf32, #tpu.memory_space<vmem>>
          %dma_wait3A_493 = arith.constant 0 : i32
          %dma_wait3A_494 = tpu.memref_slice %arg4[%mul3A_487, %dma_wait3A_493] : memref<819200x64xf32, #tpu.memory_space<hbm>> -> memref<128x64xf32, #tpu.memory_space<hbm>>
          %dma_wait3A_495 = arith.constant 0 : i32
          %dma_wait3A_496 = tpu.memref_slice %arg4[%mul3A_487, %dma_wait3A_495] : memref<819200x64xf32, #tpu.memory_space<hbm>> -> memref<128x64xf32, #tpu.memory_space<hbm>>
          %dma_wait3A_497 = arith.constant 0 : i32
          %dma_wait3A_498 = arith.constant 0 : i32
          %dma_wait3A_499 = tpu.memref_slice %arg6[%dma_wait3A_488, %dma_wait3A_497, %dma_wait3A_498] : memref<8x128x64xf32, #tpu.memory_space<vmem>> -> memref<1x128x64xf32, #tpu.memory_space<vmem>>
          %dma_wait3A_500 = tpu.memref_squeeze %dma_wait3A_499 : memref<1x128x64xf32, #tpu.memory_space<vmem>> -> memref<128x64xf32, #tpu.memory_space<vmem>>
          tpu.wait_dma2 semaphore(%arg16 : memref<!tpu.dma_semaphore, #tpu.memory_space<semaphore_mem>>) src(%dma_wait3A_500 : memref<128x64xf32, #tpu.memory_space<vmem>>) dst(%dma_wait3A_496 : memref<128x64xf32, #tpu.memory_space<hbm>>)
        } else {
        }
        %dma_start3A_475 = arith.constant 1 : i32
        %dma_start3A_476 = arith.constant 0 : i32
        %dma_start3A_477 = arith.constant 0 : i32
        %dma_start3A_478 = tpu.memref_slice %arg6[%dma_start3A_475, %dma_start3A_476, %dma_start3A_477] : memref<8x128x64xf32, #tpu.memory_space<vmem>> -> memref<1x128x64xf32, #tpu.memory_space<vmem>>
        %dma_start3A_479 = tpu.memref_squeeze %dma_start3A_478 : memref<1x128x64xf32, #tpu.memory_space<vmem>> -> memref<128x64xf32, #tpu.memory_space<vmem>>
        %dma_start3A_480 = arith.constant 0 : i32
        %dma_start3A_481 = tpu.memref_slice %arg5[%add3A_391, %dma_start3A_480] : memref<200x128xi32, #tpu.memory_space<vmem>> -> memref<1x128xi32, #tpu.memory_space<vmem>>
        %dma_start3A_482 = tpu.memref_squeeze %dma_start3A_481 : memref<1x128xi32, #tpu.memory_space<vmem>> -> memref<128xi32, #tpu.memory_space<vmem>>
        %dma_start3A_483 = arith.constant 0 : i32
        %dma_start3A_484 = arith.constant 0 : i32
        %dma_start3A_485 = tpu.memref_slice %arg2[%dma_start3A_483, %dma_start3A_484] : memref<1000001x64xf32, #tpu.memory_space<hbm>> -> memref<1000001x64xf32, #tpu.memory_space<hbm>>
        tpu.enqueue_indirect_dma source(%dma_start3A_485 : memref<1000001x64xf32, #tpu.memory_space<hbm>>) target(%dma_start3A_479 : memref<128x64xf32, #tpu.memory_space<vmem>>) offsets(%dma_start3A_482 : memref<128xi32, #tpu.memory_space<vmem>>) semaphore(%arg8 : memref<!tpu.dma_semaphore, #tpu.memory_space<semaphore_mem>>)
      } else {
      }
      %add3A_397 = arith.constant 6 : i32
      %add3A_398 = arith.addi %add3A_177, %add3A_397 : i32
      %dma_wait3A_399 = arith.constant 0 : i32
      %dma_wait3A_400 = arith.constant 6 : i32
      %dma_wait3A_401 = arith.constant 0 : i32
      %dma_wait3A_402 = arith.constant 0 : i32
      %dma_wait3A_403 = tpu.memref_slice %arg6[%dma_wait3A_400, %dma_wait3A_401, %dma_wait3A_402] : memref<8x128x64xf32, #tpu.memory_space<vmem>> -> memref<1x128x64xf32, #tpu.memory_space<vmem>>
      %dma_wait3A_404 = tpu.memref_squeeze %dma_wait3A_403 : memref<1x128x64xf32, #tpu.memory_space<vmem>> -> memref<128x64xf32, #tpu.memory_space<vmem>>
      %dma_wait3A_405 = arith.constant 0 : i32
      %dma_wait3A_406 = tpu.memref_slice %arg5[%dma_wait3A_399, %dma_wait3A_405] : memref<200x128xi32, #tpu.memory_space<vmem>> -> memref<1x128xi32, #tpu.memory_space<vmem>>
      %dma_wait3A_407 = tpu.memref_squeeze %dma_wait3A_406 : memref<1x128xi32, #tpu.memory_space<vmem>> -> memref<128xi32, #tpu.memory_space<vmem>>
      %dma_wait3A_408 = arith.constant 0 : i32
      %dma_wait3A_409 = arith.constant 0 : i32
      %dma_wait3A_410 = tpu.memref_slice %arg2[%dma_wait3A_408, %dma_wait3A_409] : memref<1000001x64xf32, #tpu.memory_space<hbm>> -> memref<1000001x64xf32, #tpu.memory_space<hbm>>
      tpu.wait_indirect_dma semaphore(%arg13 : memref<!tpu.dma_semaphore, #tpu.memory_space<semaphore_mem>>) src(%dma_wait3A_410 : memref<1000001x64xf32, #tpu.memory_space<hbm>>) dst(%dma_wait3A_404 : memref<128x64xf32, #tpu.memory_space<vmem>>)
      %add3A_411 = arith.addi %mul3A_2, %add3A_398 : i32
      %mul3A_412 = arith.constant 128 : i32
      %mul3A_413 = arith.muli %add3A_411, %mul3A_412 : i32
      %dma_start3A_414 = arith.constant 6 : i32
      %dma_start3A_415 = arith.constant 0 : i32
      %dma_start3A_416 = arith.constant 0 : i32
      %dma_start3A_417 = tpu.memref_slice %arg6[%dma_start3A_414, %dma_start3A_415, %dma_start3A_416] : memref<8x128x64xf32, #tpu.memory_space<vmem>> -> memref<1x128x64xf32, #tpu.memory_space<vmem>>
      %dma_start3A_418 = tpu.memref_squeeze %dma_start3A_417 : memref<1x128x64xf32, #tpu.memory_space<vmem>> -> memref<128x64xf32, #tpu.memory_space<vmem>>
      %dma_start3A_419 = arith.constant 0 : i32
      %dma_start3A_420 = tpu.memref_slice %arg4[%mul3A_413, %dma_start3A_419] : memref<819200x64xf32, #tpu.memory_space<hbm>> -> memref<128x64xf32, #tpu.memory_space<hbm>>
      %dma_start3A_421 = arith.constant 0 : i32
      %dma_start3A_422 = tpu.memref_slice %arg4[%mul3A_413, %dma_start3A_421] : memref<819200x64xf32, #tpu.memory_space<hbm>> -> memref<128x64xf32, #tpu.memory_space<hbm>>
      %dma_start3A_423 = arith.constant 0 : i32
      %dma_start3A_424 = arith.constant 0 : i32
      %dma_start3A_425 = tpu.memref_slice %arg6[%dma_start3A_414, %dma_start3A_423, %dma_start3A_424] : memref<8x128x64xf32, #tpu.memory_space<vmem>> -> memref<1x128x64xf32, #tpu.memory_space<vmem>>
      %dma_start3A_426 = tpu.memref_squeeze %dma_start3A_425 : memref<1x128x64xf32, #tpu.memory_space<vmem>> -> memref<128x64xf32, #tpu.memory_space<vmem>>
      tpu.enqueue_dma source(%dma_start3A_426 : memref<128x64xf32, #tpu.memory_space<vmem>>) target(%dma_start3A_422 : memref<128x64xf32, #tpu.memory_space<hbm>>) target_semaphore(%arg21 : memref<!tpu.dma_semaphore, #tpu.memory_space<semaphore_mem>>)
      %add3A_427 = arith.constant 4 : i32
      %add3A_428 = arith.addi %add3A_398, %add3A_427 : i32
      %lt3A_429 = arith.constant 200 : i32
      %lt3A_430 = arith.cmpi slt, %add3A_428, %lt3A_429 : i32
      %convert_element_type3A_431 = arith.extui %lt3A_430 : i1 to i32
      %cond3A_432 = arith.constant 0 : i32
      %cond3A_433 = arith.cmpi ne, %convert_element_type3A_431, %cond3A_432 : i32
      scf.if %cond3A_433 {
        %ge3A = arith.constant 8 : i32
        %ge3A_471 = arith.cmpi sge, %add3A_428, %ge3A : i32
        %convert_element_type3A_472 = arith.extui %ge3A_471 : i1 to i32
        %cond3A_473 = arith.constant 0 : i32
        %cond3A_474 = arith.cmpi ne, %convert_element_type3A_472, %cond3A_473 : i32
        scf.if %cond3A_474 {
          %mul3A_486 = arith.constant 128 : i32
          %mul3A_487 = arith.muli %mul3A_2, %mul3A_486 : i32
          %dma_wait3A_488 = arith.constant 2 : i32
          %dma_wait3A_489 = arith.constant 0 : i32
          %dma_wait3A_490 = arith.constant 0 : i32
          %dma_wait3A_491 = tpu.memref_slice %arg6[%dma_wait3A_488, %dma_wait3A_489, %dma_wait3A_490] : memref<8x128x64xf32, #tpu.memory_space<vmem>> -> memref<1x128x64xf32, #tpu.memory_space<vmem>>
          %dma_wait3A_492 = tpu.memref_squeeze %dma_wait3A_491 : memref<1x128x64xf32, #tpu.memory_space<vmem>> -> memref<128x64xf32, #tpu.memory_space<vmem>>
          %dma_wait3A_493 = arith.constant 0 : i32
          %dma_wait3A_494 = tpu.memref_slice %arg4[%mul3A_487, %dma_wait3A_493] : memref<819200x64xf32, #tpu.memory_space<hbm>> -> memref<128x64xf32, #tpu.memory_space<hbm>>
          %dma_wait3A_495 = arith.constant 0 : i32
          %dma_wait3A_496 = tpu.memref_slice %arg4[%mul3A_487, %dma_wait3A_495] : memref<819200x64xf32, #tpu.memory_space<hbm>> -> memref<128x64xf32, #tpu.memory_space<hbm>>
          %dma_wait3A_497 = arith.constant 0 : i32
          %dma_wait3A_498 = arith.constant 0 : i32
          %dma_wait3A_499 = tpu.memref_slice %arg6[%dma_wait3A_488, %dma_wait3A_497, %dma_wait3A_498] : memref<8x128x64xf32, #tpu.memory_space<vmem>> -> memref<1x128x64xf32, #tpu.memory_space<vmem>>
          %dma_wait3A_500 = tpu.memref_squeeze %dma_wait3A_499 : memref<1x128x64xf32, #tpu.memory_space<vmem>> -> memref<128x64xf32, #tpu.memory_space<vmem>>
          tpu.wait_dma2 semaphore(%arg17 : memref<!tpu.dma_semaphore, #tpu.memory_space<semaphore_mem>>) src(%dma_wait3A_500 : memref<128x64xf32, #tpu.memory_space<vmem>>) dst(%dma_wait3A_496 : memref<128x64xf32, #tpu.memory_space<hbm>>)
        } else {
        }
        %dma_start3A_475 = arith.constant 2 : i32
        %dma_start3A_476 = arith.constant 0 : i32
        %dma_start3A_477 = arith.constant 0 : i32
        %dma_start3A_478 = tpu.memref_slice %arg6[%dma_start3A_475, %dma_start3A_476, %dma_start3A_477] : memref<8x128x64xf32, #tpu.memory_space<vmem>> -> memref<1x128x64xf32, #tpu.memory_space<vmem>>
        %dma_start3A_479 = tpu.memref_squeeze %dma_start3A_478 : memref<1x128x64xf32, #tpu.memory_space<vmem>> -> memref<128x64xf32, #tpu.memory_space<vmem>>
        %dma_start3A_480 = arith.constant 0 : i32
        %dma_start3A_481 = tpu.memref_slice %arg5[%add3A_428, %dma_start3A_480] : memref<200x128xi32, #tpu.memory_space<vmem>> -> memref<1x128xi32, #tpu.memory_space<vmem>>
        %dma_start3A_482 = tpu.memref_squeeze %dma_start3A_481 : memref<1x128xi32, #tpu.memory_space<vmem>> -> memref<128xi32, #tpu.memory_space<vmem>>
        %dma_start3A_483 = arith.constant 0 : i32
        %dma_start3A_484 = arith.constant 0 : i32
        %dma_start3A_485 = tpu.memref_slice %arg2[%dma_start3A_483, %dma_start3A_484] : memref<1000001x64xf32, #tpu.memory_space<hbm>> -> memref<1000001x64xf32, #tpu.memory_space<hbm>>
        tpu.enqueue_indirect_dma source(%dma_start3A_485 : memref<1000001x64xf32, #tpu.memory_space<hbm>>) target(%dma_start3A_479 : memref<128x64xf32, #tpu.memory_space<vmem>>) offsets(%dma_start3A_482 : memref<128xi32, #tpu.memory_space<vmem>>) semaphore(%arg9 : memref<!tpu.dma_semaphore, #tpu.memory_space<semaphore_mem>>)
      } else {
      }
      %add3A_434 = arith.constant 7 : i32
      %add3A_435 = arith.addi %add3A_177, %add3A_434 : i32
      %dma_wait3A_436 = arith.constant 0 : i32
      %dma_wait3A_437 = arith.constant 7 : i32
      %dma_wait3A_438 = arith.constant 0 : i32
      %dma_wait3A_439 = arith.constant 0 : i32
      %dma_wait3A_440 = tpu.memref_slice %arg6[%dma_wait3A_437, %dma_wait3A_438, %dma_wait3A_439] : memref<8x128x64xf32, #tpu.memory_space<vmem>> -> memref<1x128x64xf32, #tpu.memory_space<vmem>>
      %dma_wait3A_441 = tpu.memref_squeeze %dma_wait3A_440 : memref<1x128x64xf32, #tpu.memory_space<vmem>> -> memref<128x64xf32, #tpu.memory_space<vmem>>
      %dma_wait3A_442 = arith.constant 0 : i32
      %dma_wait3A_443 = tpu.memref_slice %arg5[%dma_wait3A_436, %dma_wait3A_442] : memref<200x128xi32, #tpu.memory_space<vmem>> -> memref<1x128xi32, #tpu.memory_space<vmem>>
      %dma_wait3A_444 = tpu.memref_squeeze %dma_wait3A_443 : memref<1x128xi32, #tpu.memory_space<vmem>> -> memref<128xi32, #tpu.memory_space<vmem>>
      %dma_wait3A_445 = arith.constant 0 : i32
      %dma_wait3A_446 = arith.constant 0 : i32
      %dma_wait3A_447 = tpu.memref_slice %arg2[%dma_wait3A_445, %dma_wait3A_446] : memref<1000001x64xf32, #tpu.memory_space<hbm>> -> memref<1000001x64xf32, #tpu.memory_space<hbm>>
      tpu.wait_indirect_dma semaphore(%arg14 : memref<!tpu.dma_semaphore, #tpu.memory_space<semaphore_mem>>) src(%dma_wait3A_447 : memref<1000001x64xf32, #tpu.memory_space<hbm>>) dst(%dma_wait3A_441 : memref<128x64xf32, #tpu.memory_space<vmem>>)
      %add3A_448 = arith.addi %mul3A_2, %add3A_435 : i32
      %mul3A_449 = arith.constant 128 : i32
      %mul3A_450 = arith.muli %add3A_448, %mul3A_449 : i32
      %dma_start3A_451 = arith.constant 7 : i32
      %dma_start3A_452 = arith.constant 0 : i32
      %dma_start3A_453 = arith.constant 0 : i32
      %dma_start3A_454 = tpu.memref_slice %arg6[%dma_start3A_451, %dma_start3A_452, %dma_start3A_453] : memref<8x128x64xf32, #tpu.memory_space<vmem>> -> memref<1x128x64xf32, #tpu.memory_space<vmem>>
      %dma_start3A_455 = tpu.memref_squeeze %dma_start3A_454 : memref<1x128x64xf32, #tpu.memory_space<vmem>> -> memref<128x64xf32, #tpu.memory_space<vmem>>
      %dma_start3A_456 = arith.constant 0 : i32
      %dma_start3A_457 = tpu.memref_slice %arg4[%mul3A_450, %dma_start3A_456] : memref<819200x64xf32, #tpu.memory_space<hbm>> -> memref<128x64xf32, #tpu.memory_space<hbm>>
      %dma_start3A_458 = arith.constant 0 : i32
      %dma_start3A_459 = tpu.memref_slice %arg4[%mul3A_450, %dma_start3A_458] : memref<819200x64xf32, #tpu.memory_space<hbm>> -> memref<128x64xf32, #tpu.memory_space<hbm>>
      %dma_start3A_460 = arith.constant 0 : i32
      %dma_start3A_461 = arith.constant 0 : i32
      %dma_start3A_462 = tpu.memref_slice %arg6[%dma_start3A_451, %dma_start3A_460, %dma_start3A_461] : memref<8x128x64xf32, #tpu.memory_space<vmem>> -> memref<1x128x64xf32, #tpu.memory_space<vmem>>
      %dma_start3A_463 = tpu.memref_squeeze %dma_start3A_462 : memref<1x128x64xf32, #tpu.memory_space<vmem>> -> memref<128x64xf32, #tpu.memory_space<vmem>>
      tpu.enqueue_dma source(%dma_start3A_463 : memref<128x64xf32, #tpu.memory_space<vmem>>) target(%dma_start3A_459 : memref<128x64xf32, #tpu.memory_space<hbm>>) target_semaphore(%arg22 : memref<!tpu.dma_semaphore, #tpu.memory_space<semaphore_mem>>)
      %add3A_464 = arith.constant 4 : i32
      %add3A_465 = arith.addi %add3A_435, %add3A_464 : i32
      %lt3A_466 = arith.constant 200 : i32
      %lt3A_467 = arith.cmpi slt, %add3A_465, %lt3A_466 : i32
      %convert_element_type3A_468 = arith.extui %lt3A_467 : i1 to i32
      %cond3A_469 = arith.constant 0 : i32
      %cond3A_470 = arith.cmpi ne, %convert_element_type3A_468, %cond3A_469 : i32
      scf.if %cond3A_470 {
        %ge3A = arith.constant 8 : i32
        %ge3A_471 = arith.cmpi sge, %add3A_465, %ge3A : i32
        %convert_element_type3A_472 = arith.extui %ge3A_471 : i1 to i32
        %cond3A_473 = arith.constant 0 : i32
        %cond3A_474 = arith.cmpi ne, %convert_element_type3A_472, %cond3A_473 : i32
        scf.if %cond3A_474 {
          %mul3A_486 = arith.constant 128 : i32
          %mul3A_487 = arith.muli %mul3A_2, %mul3A_486 : i32
          %dma_wait3A_488 = arith.constant 3 : i32
          %dma_wait3A_489 = arith.constant 0 : i32
          %dma_wait3A_490 = arith.constant 0 : i32
          %dma_wait3A_491 = tpu.memref_slice %arg6[%dma_wait3A_488, %dma_wait3A_489, %dma_wait3A_490] : memref<8x128x64xf32, #tpu.memory_space<vmem>> -> memref<1x128x64xf32, #tpu.memory_space<vmem>>
          %dma_wait3A_492 = tpu.memref_squeeze %dma_wait3A_491 : memref<1x128x64xf32, #tpu.memory_space<vmem>> -> memref<128x64xf32, #tpu.memory_space<vmem>>
          %dma_wait3A_493 = arith.constant 0 : i32
          %dma_wait3A_494 = tpu.memref_slice %arg4[%mul3A_487, %dma_wait3A_493] : memref<819200x64xf32, #tpu.memory_space<hbm>> -> memref<128x64xf32, #tpu.memory_space<hbm>>
          %dma_wait3A_495 = arith.constant 0 : i32
          %dma_wait3A_496 = tpu.memref_slice %arg4[%mul3A_487, %dma_wait3A_495] : memref<819200x64xf32, #tpu.memory_space<hbm>> -> memref<128x64xf32, #tpu.memory_space<hbm>>
          %dma_wait3A_497 = arith.constant 0 : i32
          %dma_wait3A_498 = arith.constant 0 : i32
          %dma_wait3A_499 = tpu.memref_slice %arg6[%dma_wait3A_488, %dma_wait3A_497, %dma_wait3A_498] : memref<8x128x64xf32, #tpu.memory_space<vmem>> -> memref<1x128x64xf32, #tpu.memory_space<vmem>>
          %dma_wait3A_500 = tpu.memref_squeeze %dma_wait3A_499 : memref<1x128x64xf32, #tpu.memory_space<vmem>> -> memref<128x64xf32, #tpu.memory_space<vmem>>
          tpu.wait_dma2 semaphore(%arg18 : memref<!tpu.dma_semaphore, #tpu.memory_space<semaphore_mem>>) src(%dma_wait3A_500 : memref<128x64xf32, #tpu.memory_space<vmem>>) dst(%dma_wait3A_496 : memref<128x64xf32, #tpu.memory_space<hbm>>)
        } else {
        }
        %dma_start3A_475 = arith.constant 3 : i32
        %dma_start3A_476 = arith.constant 0 : i32
        %dma_start3A_477 = arith.constant 0 : i32
        %dma_start3A_478 = tpu.memref_slice %arg6[%dma_start3A_475, %dma_start3A_476, %dma_start3A_477] : memref<8x128x64xf32, #tpu.memory_space<vmem>> -> memref<1x128x64xf32, #tpu.memory_space<vmem>>
        %dma_start3A_479 = tpu.memref_squeeze %dma_start3A_478 : memref<1x128x64xf32, #tpu.memory_space<vmem>> -> memref<128x64xf32, #tpu.memory_space<vmem>>
        %dma_start3A_480 = arith.constant 0 : i32
        %dma_start3A_481 = tpu.memref_slice %arg5[%add3A_465, %dma_start3A_480] : memref<200x128xi32, #tpu.memory_space<vmem>> -> memref<1x128xi32, #tpu.memory_space<vmem>>
        %dma_start3A_482 = tpu.memref_squeeze %dma_start3A_481 : memref<1x128xi32, #tpu.memory_space<vmem>> -> memref<128xi32, #tpu.memory_space<vmem>>
        %dma_start3A_483 = arith.constant 0 : i32
        %dma_start3A_484 = arith.constant 0 : i32
        %dma_start3A_485 = tpu.memref_slice %arg2[%dma_start3A_483, %dma_start3A_484] : memref<1000001x64xf32, #tpu.memory_space<hbm>> -> memref<1000001x64xf32, #tpu.memory_space<hbm>>
        tpu.enqueue_indirect_dma source(%dma_start3A_485 : memref<1000001x64xf32, #tpu.memory_space<hbm>>) target(%dma_start3A_479 : memref<128x64xf32, #tpu.memory_space<vmem>>) offsets(%dma_start3A_482 : memref<128xi32, #tpu.memory_space<vmem>>) semaphore(%arg10 : memref<!tpu.dma_semaphore, #tpu.memory_space<semaphore_mem>>)
      } else {
      }
    }
    %scan3A_53 = arith.constant 25 : i32
    %mul3A_54 = arith.constant 128 : i32
    %mul3A_55 = arith.muli %mul3A_2, %mul3A_54 : i32
    %dma_wait3A = arith.constant 0 : i32
    %dma_wait3A_56 = arith.constant 0 : i32
    %dma_wait3A_57 = arith.constant 0 : i32
    %dma_wait3A_58 = tpu.memref_slice %arg6[%dma_wait3A, %dma_wait3A_56, %dma_wait3A_57] : memref<8x128x64xf32, #tpu.memory_space<vmem>> -> memref<1x128x64xf32, #tpu.memory_space<vmem>>
    %dma_wait3A_59 = tpu.memref_squeeze %dma_wait3A_58 : memref<1x128x64xf32, #tpu.memory_space<vmem>> -> memref<128x64xf32, #tpu.memory_space<vmem>>
    %dma_wait3A_60 = arith.constant 0 : i32
    %dma_wait3A_61 = tpu.memref_slice %arg4[%mul3A_55, %dma_wait3A_60] : memref<819200x64xf32, #tpu.memory_space<hbm>> -> memref<128x64xf32, #tpu.memory_space<hbm>>
    %dma_wait3A_62 = arith.constant 0 : i32
    %dma_wait3A_63 = tpu.memref_slice %arg4[%mul3A_55, %dma_wait3A_62] : memref<819200x64xf32, #tpu.memory_space<hbm>> -> memref<128x64xf32, #tpu.memory_space<hbm>>
    %dma_wait3A_64 = arith.constant 0 : i32
    %dma_wait3A_65 = arith.constant 0 : i32
    %dma_wait3A_66 = tpu.memref_slice %arg6[%dma_wait3A, %dma_wait3A_64, %dma_wait3A_65] : memref<8x128x64xf32, #tpu.memory_space<vmem>> -> memref<1x128x64xf32, #tpu.memory_space<vmem>>
    %dma_wait3A_67 = tpu.memref_squeeze %dma_wait3A_66 : memref<1x128x64xf32, #tpu.memory_space<vmem>> -> memref<128x64xf32, #tpu.memory_space<vmem>>
    tpu.wait_dma2 semaphore(%arg15 : memref<!tpu.dma_semaphore, #tpu.memory_space<semaphore_mem>>) src(%dma_wait3A_67 : memref<128x64xf32, #tpu.memory_space<vmem>>) dst(%dma_wait3A_63 : memref<128x64xf32, #tpu.memory_space<hbm>>)
    %mul3A_68 = arith.constant 128 : i32
    %mul3A_69 = arith.muli %mul3A_2, %mul3A_68 : i32
    %dma_wait3A_70 = arith.constant 1 : i32
    %dma_wait3A_71 = arith.constant 0 : i32
    %dma_wait3A_72 = arith.constant 0 : i32
    %dma_wait3A_73 = tpu.memref_slice %arg6[%dma_wait3A_70, %dma_wait3A_71, %dma_wait3A_72] : memref<8x128x64xf32, #tpu.memory_space<vmem>> -> memref<1x128x64xf32, #tpu.memory_space<vmem>>
    %dma_wait3A_74 = tpu.memref_squeeze %dma_wait3A_73 : memref<1x128x64xf32, #tpu.memory_space<vmem>> -> memref<128x64xf32, #tpu.memory_space<vmem>>
    %dma_wait3A_75 = arith.constant 0 : i32
    %dma_wait3A_76 = tpu.memref_slice %arg4[%mul3A_69, %dma_wait3A_75] : memref<819200x64xf32, #tpu.memory_space<hbm>> -> memref<128x64xf32, #tpu.memory_space<hbm>>
    %dma_wait3A_77 = arith.constant 0 : i32
    %dma_wait3A_78 = tpu.memref_slice %arg4[%mul3A_69, %dma_wait3A_77] : memref<819200x64xf32, #tpu.memory_space<hbm>> -> memref<128x64xf32, #tpu.memory_space<hbm>>
    %dma_wait3A_79 = arith.constant 0 : i32
    %dma_wait3A_80 = arith.constant 0 : i32
    %dma_wait3A_81 = tpu.memref_slice %arg6[%dma_wait3A_70, %dma_wait3A_79, %dma_wait3A_80] : memref<8x128x64xf32, #tpu.memory_space<vmem>> -> memref<1x128x64xf32, #tpu.memory_space<vmem>>
    %dma_wait3A_82 = tpu.memref_squeeze %dma_wait3A_81 : memref<1x128x64xf32, #tpu.memory_space<vmem>> -> memref<128x64xf32, #tpu.memory_space<vmem>>
    tpu.wait_dma2 semaphore(%arg16 : memref<!tpu.dma_semaphore, #tpu.memory_space<semaphore_mem>>) src(%dma_wait3A_82 : memref<128x64xf32, #tpu.memory_space<vmem>>) dst(%dma_wait3A_78 : memref<128x64xf32, #tpu.memory_space<hbm>>)
    %mul3A_83 = arith.constant 128 : i32
    %mul3A_84 = arith.muli %mul3A_2, %mul3A_83 : i32
    %dma_wait3A_85 = arith.constant 2 : i32
    %dma_wait3A_86 = arith.constant 0 : i32
    %dma_wait3A_87 = arith.constant 0 : i32
    %dma_wait3A_88 = tpu.memref_slice %arg6[%dma_wait3A_85, %dma_wait3A_86, %dma_wait3A_87] : memref<8x128x64xf32, #tpu.memory_space<vmem>> -> memref<1x128x64xf32, #tpu.memory_space<vmem>>
    %dma_wait3A_89 = tpu.memref_squeeze %dma_wait3A_88 : memref<1x128x64xf32, #tpu.memory_space<vmem>> -> memref<128x64xf32, #tpu.memory_space<vmem>>
    %dma_wait3A_90 = arith.constant 0 : i32
    %dma_wait3A_91 = tpu.memref_slice %arg4[%mul3A_84, %dma_wait3A_90] : memref<819200x64xf32, #tpu.memory_space<hbm>> -> memref<128x64xf32, #tpu.memory_space<hbm>>
    %dma_wait3A_92 = arith.constant 0 : i32
    %dma_wait3A_93 = tpu.memref_slice %arg4[%mul3A_84, %dma_wait3A_92] : memref<819200x64xf32, #tpu.memory_space<hbm>> -> memref<128x64xf32, #tpu.memory_space<hbm>>
    %dma_wait3A_94 = arith.constant 0 : i32
    %dma_wait3A_95 = arith.constant 0 : i32
    %dma_wait3A_96 = tpu.memref_slice %arg6[%dma_wait3A_85, %dma_wait3A_94, %dma_wait3A_95] : memref<8x128x64xf32, #tpu.memory_space<vmem>> -> memref<1x128x64xf32, #tpu.memory_space<vmem>>
    %dma_wait3A_97 = tpu.memref_squeeze %dma_wait3A_96 : memref<1x128x64xf32, #tpu.memory_space<vmem>> -> memref<128x64xf32, #tpu.memory_space<vmem>>
    tpu.wait_dma2 semaphore(%arg17 : memref<!tpu.dma_semaphore, #tpu.memory_space<semaphore_mem>>) src(%dma_wait3A_97 : memref<128x64xf32, #tpu.memory_space<vmem>>) dst(%dma_wait3A_93 : memref<128x64xf32, #tpu.memory_space<hbm>>)
    %mul3A_98 = arith.constant 128 : i32
    %mul3A_99 = arith.muli %mul3A_2, %mul3A_98 : i32
    %dma_wait3A_100 = arith.constant 3 : i32
    %dma_wait3A_101 = arith.constant 0 : i32
    %dma_wait3A_102 = arith.constant 0 : i32
    %dma_wait3A_103 = tpu.memref_slice %arg6[%dma_wait3A_100, %dma_wait3A_101, %dma_wait3A_102] : memref<8x128x64xf32, #tpu.memory_space<vmem>> -> memref<1x128x64xf32, #tpu.memory_space<vmem>>
    %dma_wait3A_104 = tpu.memref_squeeze %dma_wait3A_103 : memref<1x128x64xf32, #tpu.memory_space<vmem>> -> memref<128x64xf32, #tpu.memory_space<vmem>>
    %dma_wait3A_105 = arith.constant 0 : i32
    %dma_wait3A_106 = tpu.memref_slice %arg4[%mul3A_99, %dma_wait3A_105] : memref<819200x64xf32, #tpu.memory_space<hbm>> -> memref<128x64xf32, #tpu.memory_space<hbm>>
    %dma_wait3A_107 = arith.constant 0 : i32
    %dma_wait3A_108 = tpu.memref_slice %arg4[%mul3A_99, %dma_wait3A_107] : memref<819200x64xf32, #tpu.memory_space<hbm>> -> memref<128x64xf32, #tpu.memory_space<hbm>>
    %dma_wait3A_109 = arith.constant 0 : i32
    %dma_wait3A_110 = arith.constant 0 : i32
    %dma_wait3A_111 = tpu.memref_slice %arg6[%dma_wait3A_100, %dma_wait3A_109, %dma_wait3A_110] : memref<8x128x64xf32, #tpu.memory_space<vmem>> -> memref<1x128x64xf32, #tpu.memory_space<vmem>>
    %dma_wait3A_112 = tpu.memref_squeeze %dma_wait3A_111 : memref<1x128x64xf32, #tpu.memory_space<vmem>> -> memref<128x64xf32, #tpu.memory_space<vmem>>
    tpu.wait_dma2 semaphore(%arg18 : memref<!tpu.dma_semaphore, #tpu.memory_space<semaphore_mem>>) src(%dma_wait3A_112 : memref<128x64xf32, #tpu.memory_space<vmem>>) dst(%dma_wait3A_108 : memref<128x64xf32, #tpu.memory_space<hbm>>)
    %mul3A_113 = arith.constant 128 : i32
    %mul3A_114 = arith.muli %mul3A_2, %mul3A_113 : i32
    %dma_wait3A_115 = arith.constant 4 : i32
    %dma_wait3A_116 = arith.constant 0 : i32
    %dma_wait3A_117 = arith.constant 0 : i32
    %dma_wait3A_118 = tpu.memref_slice %arg6[%dma_wait3A_115, %dma_wait3A_116, %dma_wait3A_117] : memref<8x128x64xf32, #tpu.memory_space<vmem>> -> memref<1x128x64xf32, #tpu.memory_space<vmem>>
    %dma_wait3A_119 = tpu.memref_squeeze %dma_wait3A_118 : memref<1x128x64xf32, #tpu.memory_space<vmem>> -> memref<128x64xf32, #tpu.memory_space<vmem>>
    %dma_wait3A_120 = arith.constant 0 : i32
    %dma_wait3A_121 = tpu.memref_slice %arg4[%mul3A_114, %dma_wait3A_120] : memref<819200x64xf32, #tpu.memory_space<hbm>> -> memref<128x64xf32, #tpu.memory_space<hbm>>
    %dma_wait3A_122 = arith.constant 0 : i32
    %dma_wait3A_123 = tpu.memref_slice %arg4[%mul3A_114, %dma_wait3A_122] : memref<819200x64xf32, #tpu.memory_space<hbm>> -> memref<128x64xf32, #tpu.memory_space<hbm>>
    %dma_wait3A_124 = arith.constant 0 : i32
    %dma_wait3A_125 = arith.constant 0 : i32
    %dma_wait3A_126 = tpu.memref_slice %arg6[%dma_wait3A_115, %dma_wait3A_124, %dma_wait3A_125] : memref<8x128x64xf32, #tpu.memory_space<vmem>> -> memref<1x128x64xf32, #tpu.memory_space<vmem>>
    %dma_wait3A_127 = tpu.memref_squeeze %dma_wait3A_126 : memref<1x128x64xf32, #tpu.memory_space<vmem>> -> memref<128x64xf32, #tpu.memory_space<vmem>>
    tpu.wait_dma2 semaphore(%arg19 : memref<!tpu.dma_semaphore, #tpu.memory_space<semaphore_mem>>) src(%dma_wait3A_127 : memref<128x64xf32, #tpu.memory_space<vmem>>) dst(%dma_wait3A_123 : memref<128x64xf32, #tpu.memory_space<hbm>>)
    %mul3A_128 = arith.constant 128 : i32
    %mul3A_129 = arith.muli %mul3A_2, %mul3A_128 : i32
    %dma_wait3A_130 = arith.constant 5 : i32
    %dma_wait3A_131 = arith.constant 0 : i32
    %dma_wait3A_132 = arith.constant 0 : i32
    %dma_wait3A_133 = tpu.memref_slice %arg6[%dma_wait3A_130, %dma_wait3A_131, %dma_wait3A_132] : memref<8x128x64xf32, #tpu.memory_space<vmem>> -> memref<1x128x64xf32, #tpu.memory_space<vmem>>
    %dma_wait3A_134 = tpu.memref_squeeze %dma_wait3A_133 : memref<1x128x64xf32, #tpu.memory_space<vmem>> -> memref<128x64xf32, #tpu.memory_space<vmem>>
    %dma_wait3A_135 = arith.constant 0 : i32
    %dma_wait3A_136 = tpu.memref_slice %arg4[%mul3A_129, %dma_wait3A_135] : memref<819200x64xf32, #tpu.memory_space<hbm>> -> memref<128x64xf32, #tpu.memory_space<hbm>>
    %dma_wait3A_137 = arith.constant 0 : i32
    %dma_wait3A_138 = tpu.memref_slice %arg4[%mul3A_129, %dma_wait3A_137] : memref<819200x64xf32, #tpu.memory_space<hbm>> -> memref<128x64xf32, #tpu.memory_space<hbm>>
    %dma_wait3A_139 = arith.constant 0 : i32
    %dma_wait3A_140 = arith.constant 0 : i32
    %dma_wait3A_141 = tpu.memref_slice %arg6[%dma_wait3A_130, %dma_wait3A_139, %dma_wait3A_140] : memref<8x128x64xf32, #tpu.memory_space<vmem>> -> memref<1x128x64xf32, #tpu.memory_space<vmem>>
    %dma_wait3A_142 = tpu.memref_squeeze %dma_wait3A_141 : memref<1x128x64xf32, #tpu.memory_space<vmem>> -> memref<128x64xf32, #tpu.memory_space<vmem>>
    tpu.wait_dma2 semaphore(%arg20 : memref<!tpu.dma_semaphore, #tpu.memory_space<semaphore_mem>>) src(%dma_wait3A_142 : memref<128x64xf32, #tpu.memory_space<vmem>>) dst(%dma_wait3A_138 : memref<128x64xf32, #tpu.memory_space<hbm>>)
    %mul3A_143 = arith.constant 128 : i32
    %mul3A_144 = arith.muli %mul3A_2, %mul3A_143 : i32
    %dma_wait3A_145 = arith.constant 6 : i32
    %dma_wait3A_146 = arith.constant 0 : i32
    %dma_wait3A_147 = arith.constant 0 : i32
    %dma_wait3A_148 = tpu.memref_slice %arg6[%dma_wait3A_145, %dma_wait3A_146, %dma_wait3A_147] : memref<8x128x64xf32, #tpu.memory_space<vmem>> -> memref<1x128x64xf32, #tpu.memory_space<vmem>>
    %dma_wait3A_149 = tpu.memref_squeeze %dma_wait3A_148 : memref<1x128x64xf32, #tpu.memory_space<vmem>> -> memref<128x64xf32, #tpu.memory_space<vmem>>
    %dma_wait3A_150 = arith.constant 0 : i32
    %dma_wait3A_151 = tpu.memref_slice %arg4[%mul3A_144, %dma_wait3A_150] : memref<819200x64xf32, #tpu.memory_space<hbm>> -> memref<128x64xf32, #tpu.memory_space<hbm>>
    %dma_wait3A_152 = arith.constant 0 : i32
    %dma_wait3A_153 = tpu.memref_slice %arg4[%mul3A_144, %dma_wait3A_152] : memref<819200x64xf32, #tpu.memory_space<hbm>> -> memref<128x64xf32, #tpu.memory_space<hbm>>
    %dma_wait3A_154 = arith.constant 0 : i32
    %dma_wait3A_155 = arith.constant 0 : i32
    %dma_wait3A_156 = tpu.memref_slice %arg6[%dma_wait3A_145, %dma_wait3A_154, %dma_wait3A_155] : memref<8x128x64xf32, #tpu.memory_space<vmem>> -> memref<1x128x64xf32, #tpu.memory_space<vmem>>
    %dma_wait3A_157 = tpu.memref_squeeze %dma_wait3A_156 : memref<1x128x64xf32, #tpu.memory_space<vmem>> -> memref<128x64xf32, #tpu.memory_space<vmem>>
    tpu.wait_dma2 semaphore(%arg21 : memref<!tpu.dma_semaphore, #tpu.memory_space<semaphore_mem>>) src(%dma_wait3A_157 : memref<128x64xf32, #tpu.memory_space<vmem>>) dst(%dma_wait3A_153 : memref<128x64xf32, #tpu.memory_space<hbm>>)
    %mul3A_158 = arith.constant 128 : i32
    %mul3A_159 = arith.muli %mul3A_2, %mul3A_158 : i32
    %dma_wait3A_160 = arith.constant 7 : i32
    %dma_wait3A_161 = arith.constant 0 : i32
    %dma_wait3A_162 = arith.constant 0 : i32
    %dma_wait3A_163 = tpu.memref_slice %arg6[%dma_wait3A_160, %dma_wait3A_161, %dma_wait3A_162] : memref<8x128x64xf32, #tpu.memory_space<vmem>> -> memref<1x128x64xf32, #tpu.memory_space<vmem>>
    %dma_wait3A_164 = tpu.memref_squeeze %dma_wait3A_163 : memref<1x128x64xf32, #tpu.memory_space<vmem>> -> memref<128x64xf32, #tpu.memory_space<vmem>>
    %dma_wait3A_165 = arith.constant 0 : i32
    %dma_wait3A_166 = tpu.memref_slice %arg4[%mul3A_159, %dma_wait3A_165] : memref<819200x64xf32, #tpu.memory_space<hbm>> -> memref<128x64xf32, #tpu.memory_space<hbm>>
    %dma_wait3A_167 = arith.constant 0 : i32
    %dma_wait3A_168 = tpu.memref_slice %arg4[%mul3A_159, %dma_wait3A_167] : memref<819200x64xf32, #tpu.memory_space<hbm>> -> memref<128x64xf32, #tpu.memory_space<hbm>>
    %dma_wait3A_169 = arith.constant 0 : i32
    %dma_wait3A_170 = arith.constant 0 : i32
    %dma_wait3A_171 = tpu.memref_slice %arg6[%dma_wait3A_160, %dma_wait3A_169, %dma_wait3A_170] : memref<8x128x64xf32, #tpu.memory_space<vmem>> -> memref<1x128x64xf32, #tpu.memory_space<vmem>>
    %dma_wait3A_172 = tpu.memref_squeeze %dma_wait3A_171 : memref<1x128x64xf32, #tpu.memory_space<vmem>> -> memref<128x64xf32, #tpu.memory_space<vmem>>
    tpu.wait_dma2 semaphore(%arg22 : memref<!tpu.dma_semaphore, #tpu.memory_space<semaphore_mem>>) src(%dma_wait3A_172 : memref<128x64xf32, #tpu.memory_space<vmem>>) dst(%dma_wait3A_168 : memref<128x64xf32, #tpu.memory_space<hbm>>)
    return
  }
}

</mosaic_0001>

<sc_bundles>
// kernel: kernel.3.cloned.1.call-start
scs
__scs_entry_jumppad:
0x0: {  	(pc) =	sbr.rel $0x88, $3  }
0x1: {  	(tag) =	ssettag $0x0;
	lr =	simm.s32 $0x1  }
0x2: {  	[smem:$0x3F9F] =	sst lr;
	_ =	strace $0xD0000000  }
0x3: {  	_ = 	snop  }
0x4: {  	_ = 	snop  }
0x5: {  	_ = 	snop  }
0x6: {  	_ = 	snop  }
0x7: {  	_ = 	snop  }
__scs_overlays_trampoline_lowered:
0x8: {  	[smem:$0x3FAE] =	sst s0  }
0x9: {  	[smem:$0x3FAF] =	sst s1  }
0xa: {  	[smem:$0x3FB0] =	sst s2  }
0xb: {  	[smem:$0x3FB1] =	sst s3  }
0xc: {  	[smem:$0x3FB2] =	sst s4  }
0xd: {  	[smem:$0x3FB3] =	sst s5  }
0xe: {  	[smem:$0x3FB4] =	sst s6  }
0xf: {  	[smem:$0x3FB5] =	sst s7  }
0x10: {  	[smem:$0x3FB6] =	sst s8  }
0x11: {  	[smem:$0x3FB7] =	sst s9;
	s0 =	simm.s32 @!p0 $0x0  }
0x12: {  	s1 =	sld [smem:$0x3F9D];
	s0 =	simm.s32 @p0 $0x1  }
0x13: {  	[smem:$0x3FB8] =	sst s0;
	s0 =	simm.s32 @!p1 $0x0  }
0x14: {  	s2 =	sld [smem:$0x3F9C];
	s0 =	simm.s32 @p1 $0x1  }
0x15: {  	[smem:$0x3FB9] =	sst s0;
	s0 =	simm.s32 @!p2 $0x0  }
0x16: {  	s3 =	sld [smem:$0x3FDB];
	s0 =	simm.s32 @p2 $0x1  }
0x17: {  	s4 =	simm.s32 $0x1BF5;
	[smem:$0x3FBB] =	sst s0  }
0x18: {  	s0 =	sld [smem:$0x3F9E];
	_ =	swait.ge [sflag:s4], $0x0  }
0x19: {  	s7 =	sld [smem:$0x3F9F]  }
0x1a: {  	s8 =	sadd.s32 $0xFFFFE003, lr  }
0x1b: {  	s9 =	sadd.s32 $0xFFFFFEF7, lr;
	s5 =	simm.s32 $0xFFFFFFFF;
	p2 =	slt.u32 s8, $0xFFFFF086  }
0x1c: {  	p1 =	slt.u32 s9, $0xF7A;
	s5 =	simm.s32 @!p2 $0x0  }
0x1d: {  	s5 =	simm.s32 @p1 $0x1;
	p0 =	seq.s32 s7, s2  }
0x1e: {  	s7 =	smul.u32 @!p0 $0xF7A, s2;
	p2 =	seq.s32 @!p0 s5, $0x0  }
0x1f: {  	s9 =	smul.u32 $0xF7A, s1;
	s8 =	simm.s32 @!p0 $0x1BF5;
	p2 =	por !p2, p0  }
0x20: {  	[sflag:s8] =	ssyncset.s32 @!p0 $0xFFFFF086;
	s6 =	sadd.s32 @!p0 s3, s7;
	s7 =	simm.s32 @!p0 $0x108  }
0x21: {  	s3 =	sadd.s32 s3, s9;
	s6 =	sadd.s32 @!p0 $0x88, s6;
	s7 =	simm.s32 @p2 $0x1082  }
0x22: {  	[simem:s7], [sflag:s8] =	dma.local @!p0 [hbm:s6], $0xF7A  }
0x23: {  	s9 =	sor.u32 $0xD0000000, s2;
	s6 =	simm.s32 $0x108;
	_ =	swait.ge @!p0 [sflag:s8], $0x0  }
0x24: {  	s3 =	sadd.s32 $0x88, s3;
	s6 =	simm.s32 @!p1 $0x1082;
	[sflag:s4] =	ssyncset.s32 $0xFFFFF086  }
0x25: {  	[simem:s6], [sflag:s4] =	dma.local [hbm:s3], $0xF7A  }
0x26: {  	[smem:$0x3F9F] =	sst s1;
	(tag) =	ssettag s2;
	_ =	strace s9  }
0x27: {  	s1 =	sld [smem:$0x3FAF]  }
0x28: {  	s2 =	sld [smem:$0x3FB0]  }
0x29: {  	s4 =	sld [smem:$0x3FB2]  }
0x2a: {  	p0 =	seq.s32 s5, $0x0;
	s5 =	sld [smem:$0x3FB3]  }
0x2b: {  	s6 =	sld [smem:$0x3FB4]  }
0x2c: {  	s7 =	sld [smem:$0x3FB5]  }
0x2d: {  	s3 =	simm.s32 $0x108;
	s8 =	sld [smem:$0x3FB6]  }
0x2e: {  	s3 =	simm.s32 @!p0 $0x1082;
	s9 =	sld [smem:$0x3FB7]  }
0x2f: {  	lr =	sadd.s32 s0, s3;
	s0 =	sld [smem:$0x3FAE]  }
0x30: {  	s3 =	sld [smem:$0x3FB1]  }
0x31: {  	[smem:$0x3FBA] =	sst s10  }
0x32: {  	s10 =	sld [smem:$0x3FB8];
	_ =	sdelay $0x3  }
0x33: {  	p0 =	seq.s32 s10, $0x1;
	s10 =	sld [smem:$0x3FBA];
	_ =	sdelay $0x3  }
0x34: {  	[smem:$0x3FBA] =	sst s10  }
0x35: {  	s10 =	sld [smem:$0x3FB9];
	_ =	sdelay $0x3  }
0x36: {  	p1 =	seq.s32 s10, $0x1;
	s10 =	sld [smem:$0x3FBA];
	_ =	sdelay $0x3  }
0x37: {  	[smem:$0x3FBA] =	sst s10  }
0x38: {  	s10 =	sld [smem:$0x3FBB]  }
0x39: {  	_ = 	snop;
	(pc) =	sbr.ind lr, $3  }
0x3a: {  	_ = 	snop  }
0x3b: {  	_ = 	snop  }
0x3c: {  	p2 =	seq.s32 s10, $0x1;
	s10 =	sld [smem:$0x3FBA]  }
0x3d: {  	_ =	shalt  }
0x3e: {  	_ =	shalt  }
0x3f: {  	_ =	shalt  }
0x40: {  	_ =	shalt  }
0x41: {  	_ =	shalt  }
0x42: {  	_ =	shalt  }
0x43: {  	_ =	shalt  }
0x44: {  	_ =	shalt  }
0x45: {  	_ =	shalt  }
0x46: {  	_ =	shalt  }
0x47: {  	_ =	shalt  }
0x48: {  	_ =	shalt  }
0x49: {  	_ =	shalt  }
0x4a: {  	_ =	shalt  }
0x4b: {  	_ =	shalt  }
0x4c: {  	_ =	shalt  }
0x4d: {  	_ =	shalt  }
0x4e: {  	_ =	shalt  }
0x4f: {  	_ =	shalt  }
0x50: {  	_ =	shalt  }
0x51: {  	_ =	shalt  }
0x52: {  	_ =	shalt  }
0x53: {  	_ =	shalt  }
0x54: {  	_ =	shalt  }
0x55: {  	_ =	shalt  }
0x56: {  	_ =	shalt  }
0x57: {  	_ =	shalt  }
0x58: {  	_ =	shalt  }
0x59: {  	_ =	shalt  }
0x5a: {  	_ =	shalt  }
0x5b: {  	_ =	shalt  }
0x5c: {  	_ =	shalt  }
0x5d: {  	_ =	shalt  }
0x5e: {  	_ =	shalt  }
0x5f: {  	_ =	shalt  }
0x60: {  	_ =	shalt  }
0x61: {  	_ =	shalt  }
0x62: {  	_ =	shalt  }
0x63: {  	_ =	shalt  }
0x64: {  	_ =	shalt  }
0x65: {  	_ =	shalt  }
0x66: {  	_ =	shalt  }
0x67: {  	_ =	shalt  }
0x68: {  	_ =	shalt  }
0x69: {  	_ =	shalt  }
0x6a: {  	_ =	shalt  }
0x6b: {  	_ =	shalt  }
0x6c: {  	_ =	shalt  }
0x6d: {  	_ =	shalt  }
0x6e: {  	_ =	shalt  }
0x6f: {  	_ =	shalt  }
0x70: {  	_ =	shalt  }
0x71: {  	_ =	shalt  }
0x72: {  	_ =	shalt  }
0x73: {  	_ =	shalt  }
0x74: {  	_ =	shalt  }
0x75: {  	_ =	shalt  }
0x76: {  	_ =	shalt  }
0x77: {  	_ =	shalt  }
0x78: {  	_ =	shalt  }
0x79: {  	_ =	shalt  }
0x7a: {  	_ =	shalt  }
0x7b: {  	_ =	shalt  }
0x7c: {  	_ =	shalt  }
0x7d: {  	_ =	shalt  }
0x7e: {  	_ =	shalt  }
0x7f: {  	_ =	shalt  }
0x80: {  	_ =	shalt  }
0x81: {  	_ =	shalt  }
0x82: {  	_ =	shalt  }
0x83: {  	_ =	shalt  }
0x84: {  	_ =	shalt  }
0x85: {  	_ =	shalt  }
0x86: {  	_ =	shalt  }
0x87: {  	_ =	shalt  }
.Lfunc_end0:
.L_simem_size_0:
called_computation.1_lowered:
.L_overlay_start_0:
0x88: {  	s2 =	sld [smem:$0x3FD9]  }
0x89: {  	s3 =	sld [smem:$0x3FFE];
	_ =	sdelay $0x1  }
0x8a: {  	s1 =	srdreg.scid  }
0x8b: {  	s0 =	sand.u32 $0x1, s1  }
0x8c: {  	s17 =	sshll.u32 s0, $0xA;
	s2 =	sadd.s32 s3, s2  }
0x8d: {  	s2 =	sadd.s32 s2, s17  }
0x8e: {  	[smem:$0x3FC6] =	sst s2  }
0x8f: {  	_ = 	snop  }
0x90: {  	s2 =	sld [smem:$0x3FD0];
	(tm) =	ssettm $0x1  }
0x91: {  	s18 =	sld [smem:$0x3FFB];
	_ =	sdelay $0x3  }
0x92: {  	_ =	strace s18  }
0x93: {  	s3 =	sld [smem:$0x3FFC];
	_ =	sdelay $0x3  }
0x94: {  	_ =	strace s3  }
0x95: {  	s3 =	sld [smem:$0x3FFD];
	_ =	sdelay $0x3  }
0x96: {  	_ =	strace s3  }
0x97: {  	_ =	strace $0x8FFFFFFF  }
0x98: {  	s19 =	sld [smem:$0x3FDB];
	_ =	sdelay $0x1  }
0x99: {  	s4 =	simm.s32 $_scs_section_size  }
0x9a: {  	s5 =	simm.s32 $_size__tile_overlayer_lowered;
	s6 =	simm.s32 $_tile_overlayer_lowered  }
0x9b: {  	s22 =	simm.s32 $0x1BFF;
	s21 =	sshll.u32 s6, $0x1;
	s3 =	sadd.s32 s4, s19  }
0x9c: {  	s7 =	simm.s32 $0x0;
	s20 =	sshll.u32 s5, $0x1;
	s5 =	sadd.s32 s21, s3  }
0x9d: {  	[timem:s7], [sflag:s22] =	dma.local [hbm:s5], s20  }
0x9e: {  	_ =	swait.ge [sflag:s22], s20  }
0x9f: {  	s4 =	ssub.s32 $0x0, s20;
	[sflag:s22] =	ssyncset.done $0x0  }
0xa0: {  	[sflag:s22] =	ssyncadd.s32 s4;
	_ =	sdelay $0x1  }
0xa1: {  	s23 =	simm.s32 $0x1B8B  }
0xa2: {  	_ =	swait.ge [sflag:s23], $0x1  }
0xa3: {  	[sflag:s23] =	ssyncset.done $0x0  }
0xa4: {  	s25 =	simm.s32 $0x1B8E;
	s24 =	sld [smem:$0x3FFE];
	[sflag:s23] =	ssyncadd.s32 $0xFFFFFFFF  }
0xa5: {  	s26 =	simm.s32 $execute0_lowered;
	[smem:$0x3FD2] =	sst s25  }
0xa6: {  	s5 =	sshll.u32 s26, $0x1;
	_ =	strace $0x80000046;
	[dreg:$0x1] =	wrdreg $0xFFFFFFFF  }
0xa7: {  	s28 =	simm.s32 $_size_execute0_lowered;
	s3 =	sadd.s32 s3, s5;
	[dreg:$0x0] =	wrdreg $0x0  }
0xa8: {  	s5 =	sshll.u32 s28, $0x1;
	[dreg:$0x2] =	wrdreg s3  }
0xa9: {  	[dreg:$0x3] =	wrdreg s5  }
0xaa: {  	[dreg:$0x4] =	wrdreg $0xC0  }
0xab: {  	_ =	task [dreg:s7], $0x5FFFF  }
0xac: {  	[dreg:$0x1] =	wrdreg $0xFFFFFFFF  }
0xad: {  	[dreg:$0x0] =	wrdreg $0x60  }
0xae: {  	[dreg:$0x2] =	wrdreg s24  }
0xaf: {  	[dreg:$0x3] =	wrdreg s2  }
0xb0: {  	[dreg:$0x4] =	wrdreg $0x9  }
0xb1: {  	_ =	task.clear_ibuf [dreg:s7], $0x5FFFF;
	_ =	strace $0x90000046  }
0xb2: {  	s29 =	simm.s32 $0x9;
	_ =	strace $0x80000048  }
0xb3: {  	_ =	swait.ge [sflag:s29], $0x1  }
0xb4: {  	[sflag:s29] =	ssyncadd.s32 $0xFFFFFFFF  }
0xb5: {  	_ =	strace $0x90000048  }
0xb6: {  	_ =	sfence  }
0xb7: {  	s30 =	sld [smem:$0x0];
	_ =	sdelay $0x2  }
0xb8: {  	s31 =	sshll.u32 s1, $0xD;
	s1 =	sshrl.u32 s1, $0x2  }
0xb9: {  	s3 =	sand.u32 $0x4000, s31;
	s1 =	sadd.s32 s1, s30  }
0xba: {  	s0 =	sor.u32 s3, s0;
	s1 =	sshll.u32 s1, $0x11  }
0xbb: {  	s0 =	sor.u32 s1, s0  }
0xbc: {  	s0 =	sadd.s32 $0x8F2B, s0  }
0xbd: {  	[sflag:s0] =	ssyncadd.remote.s32 $0x1  }
0xbe: {  	_ =	sfence.sel $0xFFFF  }
0xbf: {  	[dreg:$0x0] =	wrdreg $0xFFFFFFFF;
	(pc) =	sbr.abs _section_cstart, $3  }
0xc0: {  	[dreg:$0x1] =	wrdreg $0xFFFFFFFF  }
0xc1: {  	_ =	task.clear_ibuf [dreg:s7], $0x2FFFF;
	_ =	strace $0x9FFFFFFF  }
0xc2: {  	(tm) =	ssettm $0x7FFFFFFF  }
0xc3: {  	_ =	shalt  }
tec
execute0_lowered:
.L_overlay_start_1:
0x0: {  	(tag) =	ssettag $0x1  }
0x1: {  	s0 =	srdreg.scid;
	s9 =	stileid.u32  }
0x2: {  	s1 =	rddreg [dreg:$0x0];
	s3 =	simm.s32 $0x0;
	s13 =	simm.s32 $0x80  }
0x3: {  	s17 =	simm.s32 $0xA400;
	s19 =	simm.s32 $0xC400;
	s20 =	simm.s32 $0x1  }
0x4: {  	s21 =	simm.s32 $0xE400;
	s22 =	simm.s32 $0x2;
	s23 =	simm.s32 $0x10400  }
0x5: {  	s28 =	simm.s32 $0x14400;
	s29 =	simm.s32 $0x5;
	s30 =	simm.s32 $0x6  }
0x6: {  	s31 =	simm.s32 $0x7;
	s18 =	simm.s32 $0xC;
	s6 =	smul.u32 $0x190, s9  }
0x7: {  	s0 =	sand.u32 $0x1, s0;
	s2 =	sshll.u32 s9, $0x1;
	s26 =	smul.u32 $0x64000, s9  }
0x8: {  	[smem:$0x7FF] =	sst s3;
	s4 =	sadd.s32 $0xF43000, s1;
	s8 =	smul.u32 $0xC8, s0  }
0x9: {  	s2 =	sor.u32 s0, s2;
	s5 =	ssub.s32 $0x2, s0;
	s0 =	smul.u32 $0x32000, s0  }
0xa: {  	_ =	strace $0x80000047;
	s2 =	smul.u32 $0xC80, s2;
	s7 =	sshrl.u32 s5, $0x1  }
0xb: {  	s24 =	ssub.s32 s5, s7;
	s25 =	sadd.s32 s8, s6;
	s11 =	sadd.s32 s0, s26  }
.Ltmp0:
0xc: {  	s26 =	simm.s32 $0x4;
	s5 =	simm.s32 $0x0;
	(pc) =	sbr.rel .LBB2_1-.Ltmp0, $4  }
0xd: {  	s1 =	sadd.s32 s2, s1;
	s2 =	smax.u32 s24, $0x1;
	s7 =	sshll.u32 s25, $0xA  }
0xe: {  	s24 =	simm.s32 $0x3;
	s25 =	simm.s32 $0x12400;
	s1 =	sadd.s32 $0xA00, s1  }
0xf: {  	[dreg:$0x4] =	wrdreg s2;
	s8 =	sor.u32 $0x800, s7;
	s9 =	sor.u32 $0x1800, s7  }
0x10: {  	s10 =	sor.u32 $0x1000, s7;
	[dreg:$0x3] =	wrdreg s1;
	s1 =	simm.s32 $0x8  }
.LBB2_4:
0x11: {  	s0 =	simm.s32 $0x9  }
0x12: {  	_ =	swait.ge [sflag:s0], $0x2000  }
0x13: {  	[sflag:s0] =	ssyncset.done $0x0  }
0x14: {  	s5 =	simm.s32 $0xA;
	[sflag:s0] =	ssyncadd.s32 $0xFFFFE000  }
0x15: {  	_ =	swait.ge [sflag:s5], $0x2000  }
0x16: {  	[sflag:s5] =	ssyncset.done $0x0  }
0x17: {  	s6 =	simm.s32 $0xB;
	[sflag:s5] =	ssyncadd.s32 $0xFFFFE000  }
0x18: {  	_ =	swait.ge [sflag:s6], $0x2000  }
0x19: {  	[sflag:s6] =	ssyncset.done $0x0  }
0x1a: {  	[sflag:s6] =	ssyncadd.s32 $0xFFFFE000  }
0x1b: {  	_ =	swait.ge [sflag:s18], $0x2000  }
0x1c: {  	[sflag:s18] =	ssyncset.done $0x0  }
0x1d: {  	s12 =	simm.s32 $0xD;
	[sflag:s18] =	ssyncadd.s32 $0xFFFFE000  }
0x1e: {  	_ =	swait.ge [sflag:s12], $0x2000  }
0x1f: {  	[sflag:s12] =	ssyncset.done $0x0  }
0x20: {  	s14 =	simm.s32 $0xE;
	[sflag:s12] =	ssyncadd.s32 $0xFFFFE000  }
0x21: {  	_ =	swait.ge [sflag:s14], $0x2000  }
0x22: {  	[sflag:s14] =	ssyncset.done $0x0  }
0x23: {  	s15 =	simm.s32 $0xF;
	[sflag:s14] =	ssyncadd.s32 $0xFFFFE000  }
0x24: {  	_ =	swait.ge [sflag:s15], $0x2000  }
0x25: {  	[sflag:s15] =	ssyncset.done $0x0  }
0x26: {  	s2 =	simm.s32 $0x10;
	[sflag:s15] =	ssyncadd.s32 $0xFFFFE000  }
0x27: {  	_ =	swait.ge [sflag:s2], $0x2000  }
0x28: {  	s5 =	rddreg [dreg:$0x5]  }
0x29: {  	s16 =	rddreg [dreg:$0x4];
	s5 =	sadd.s32 $0x1, s5  }
0x2a: {  	p0 =	sne.s32 s5, s16  }
.Ltmp1:
0x2b: {  	_ = 	snop;
	(pc) =	sbr.rel @!p0 .LBB2_5-.Ltmp1, $3  }
0x2c: {  	_ =	sdelay $0x1  }
0x2d: {  	[sflag:s2] =	ssyncset.done $0x0  }
0x2e: {  	[sflag:s2] =	ssyncadd.s32 $0xFFFFE000  }
.LBB2_1:
0x2f: {  	[dreg:$0x5] =	wrdreg s5  }
0x30: {  	s0 =	rddreg [dreg:$0x3];
	s6 =	simm.s32 $0x11  }
0x31: {  	[tilespmem:s3], [sflag:$0x11] =	stream.linear.gather [hbm4b:s0+s3], $0x6400, $0x38;
	[tilespmem:$0x16400] =	vst v63  }
0x32: {  	_ =	swait.ge [sflag:s6], $0x6400  }
0x33: {  	[sflag:s6] =	ssyncset.done $0x0  }
0x34: {  	s12 =	simm.s32 $0x6400;
	[sflag:s6] =	ssyncadd.s32 $0xFFFF9C00  }
0x35: {  	[tilespmem:s12], [sflag:$0x1] =	stream.indirect.gather [hbm4b:s4+s13], $0x40, s3, s13, $0xb8;
	[tilespmem:$0x16400] =	vst v63  }
0x36: {  	s14 =	simm.s32 $0x8400  }
0x37: {  	[tilespmem:s14], [sflag:$0x2] =	stream.indirect.gather [hbm4b:s4+s13], $0x40, s13, s13, $0xb8;
	[tilespmem:$0x16400] =	vst v63  }
0x38: {  	s15 =	simm.s32 $0x100  }
0x39: {  	[tilespmem:s17], [sflag:$0x3] =	stream.indirect.gather [hbm4b:s4+s13], $0x40, s15, s13, $0xb8;
	[tilespmem:$0x16400] =	vst v63  }
0x3a: {  	s16 =	simm.s32 $0x180  }
0x3b: {  	[tilespmem:s19], [sflag:$0x4] =	stream.indirect.gather [hbm4b:s4+s13], $0x40, s16, s13, $0xb8;
	[tilespmem:$0x16400] =	vst v63  }
0x3c: {  	s5 =	simm.s32 $0x0;
	s16 =	rddreg [dreg:$0x1]  }
.LBB2_2:
0x3d: {  	_ =	swait.ge [sflag:s20], $0x2000  }
0x3e: {  	s6 =	sadd.s32 s16, s11;
	p0 =	seq.s32 s5, $0x0;
	[sflag:s20] =	ssyncset.done $0x0  }
0x3f: {  	s0 =	simm.s32 $0x6400;
	s12 =	simm.s32 @!p0 $0xD;
	[sflag:s20] =	ssyncadd.s32 $0xFFFFE000  }
0x40: {  	[hbm4b:s6+s3] =	stream.linear.scatter [tilespmem:s0], [sflag:$0x9], $0x2000, $0x38;
	[tilespmem:$0x16400] =	vst v63  }
0x41: {  	_ =	swait.ge @!p0 [sflag:s12], $0x2000  }
0x42: {  	s6 =	sshra.s32 s5, $0x2;
	[sflag:s12] =	ssyncset.done @!p0 $0x0  }
0x43: {  	s2 =	sadd.s32 $0x200, s6;
	[sflag:s12] =	ssyncadd.s32 @!p0 $0xFFFFE000  }
0x44: {  	[tilespmem:s21], [sflag:$0x5] =	stream.indirect.gather [hbm4b:s4+s13], $0x40, s2, s13, $0xb8;
	[tilespmem:$0x16400] =	vst v63  }
0x45: {  	_ =	swait.ge [sflag:s22], $0x2000  }
0x46: {  	s0 =	simm.s32 @!p0 $0xE;
	s12 =	sadd.s32 s16, s7;
	[sflag:s22] =	ssyncset.done $0x0  }
0x47: {  	s14 =	sadd.s32 $0x400, s12;
	s2 =	simm.s32 $0x8400;
	[sflag:s22] =	ssyncadd.s32 $0xFFFFE000  }
0x48: {  	[hbm4b:s14+s3] =	stream.linear.scatter [tilespmem:s2], [sflag:$0xA], $0x2000, $0x38;
	[tilespmem:$0x16400] =	vst v63  }
0x49: {  	_ =	swait.ge @!p0 [sflag:s0], $0x2000  }
0x4a: {  	[sflag:s0] =	ssyncset.done @!p0 $0x0  }
0x4b: {  	s15 =	sadd.s32 $0x280, s6;
	[sflag:s0] =	ssyncadd.s32 @!p0 $0xFFFFE000  }
0x4c: {  	[tilespmem:s23], [sflag:$0x6] =	stream.indirect.gather [hbm4b:s4+s13], $0x40, s15, s13, $0xb8;
	[tilespmem:$0x16400] =	vst v63  }
0x4d: {  	_ =	swait.ge [sflag:s24], $0x2000  }
0x4e: {  	[sflag:s24] =	ssyncset.done $0x0  }
0x4f: {  	s2 =	sadd.s32 s16, s8;
	s0 =	simm.s32 @!p0 $0xF;
	[sflag:s24] =	ssyncadd.s32 $0xFFFFE000  }
0x50: {  	[hbm4b:s2+s3] =	stream.linear.scatter [tilespmem:s17], [sflag:$0xB], $0x2000, $0x38;
	[tilespmem:$0x16400] =	vst v63  }
0x51: {  	_ =	swait.ge @!p0 [sflag:s0], $0x2000  }
0x52: {  	[sflag:s0] =	ssyncset.done @!p0 $0x0  }
0x53: {  	s14 =	sadd.s32 $0x300, s6;
	[sflag:s0] =	ssyncadd.s32 @!p0 $0xFFFFE000  }
0x54: {  	[tilespmem:s25], [sflag:$0x7] =	stream.indirect.gather [hbm4b:s4+s13], $0x40, s14, s13, $0xb8;
	[tilespmem:$0x16400] =	vst v63  }
0x55: {  	_ =	swait.ge [sflag:s26], $0x2000  }
0x56: {  	[sflag:s26] =	ssyncset.done $0x0  }
0x57: {  	s15 =	sadd.s32 $0xC00, s12;
	s0 =	simm.s32 @!p0 $0x10;
	[sflag:s26] =	ssyncadd.s32 $0xFFFFE000  }
0x58: {  	[hbm4b:s15+s3] =	stream.linear.scatter [tilespmem:s19], [sflag:$0xC], $0x2000, $0x38;
	[tilespmem:$0x16400] =	vst v63  }
0x59: {  	_ =	swait.ge @!p0 [sflag:s0], $0x2000  }
0x5a: {  	[sflag:s0] =	ssyncset.done @!p0 $0x0  }
0x5b: {  	s2 =	sadd.s32 $0x380, s6;
	[sflag:s0] =	ssyncadd.s32 @!p0 $0xFFFFE000  }
0x5c: {  	[tilespmem:s28], [sflag:$0x8] =	stream.indirect.gather [hbm4b:s4+s13], $0x40, s2, s13, $0xb8;
	[tilespmem:$0x16400] =	vst v63  }
0x5d: {  	_ =	swait.ge [sflag:s29], $0x2000  }
0x5e: {  	p0 =	seq.s32 s5, $0x18000;
	[sflag:s29] =	ssyncset.done $0x0  }
0x5f: {  	s14 =	sadd.s32 s16, s10;
	s0 =	simm.s32 @!p0 $0x9;
	[sflag:s29] =	ssyncadd.s32 $0xFFFFE000  }
0x60: {  	[hbm4b:s14+s3] =	stream.linear.scatter [tilespmem:s21], [sflag:$0xD], $0x2000, $0x38;
	[tilespmem:$0x16400] =	vst v63  }
0x61: {  	_ =	swait.ge @!p0 [sflag:s0], $0x2000  }
0x62: {  	[sflag:s0] =	ssyncset.done @!p0 $0x0  }
0x63: {  	[sflag:s0] =	ssyncadd.s32 @!p0 $0xFFFFE000;
	s0 =	sshra.s32 @!p0 s5, $0x2  }
0x64: {  	s15 =	simm.s32 @!p0 $0x6400;
	s14 =	simm.s32 @!p0 $0x80;
	s2 =	sadd.s32 @!p0 $0x400, s0  }
0x65: {  	[tilespmem:s15], [sflag:$0x1] =	stream.indirect.gather @!p0 [hbm4b:s4+s14], $0x40, s2, s14, $0xb8;
	[tilespmem:$0x16400] =	vst v63  }
0x66: {  	_ =	swait.ge [sflag:s30], $0x2000  }
0x67: {  	[sflag:s30] =	ssyncset.done $0x0  }
0x68: {  	s15 =	sadd.s32 $0x1400, s12;
	s2 =	simm.s32 @!p0 $0xA;
	[sflag:s30] =	ssyncadd.s32 $0xFFFFE000  }
0x69: {  	[hbm4b:s15+s3] =	stream.linear.scatter [tilespmem:s23], [sflag:$0xE], $0x2000, $0x38;
	[tilespmem:$0x16400] =	vst v63  }
0x6a: {  	_ =	swait.ge @!p0 [sflag:s2], $0x2000  }
0x6b: {  	[sflag:s2] =	ssyncset.done @!p0 $0x0  }
0x6c: {  	s15 =	simm.s32 @!p0 $0x8400;
	[sflag:s2] =	ssyncadd.s32 @!p0 $0xFFFFE000;
	s2 =	sadd.s32 @!p0 $0x480, s0  }
0x6d: {  	[tilespmem:s15], [sflag:$0x2] =	stream.indirect.gather @!p0 [hbm4b:s4+s14], $0x40, s2, s14, $0xb8;
	[tilespmem:$0x16400] =	vst v63  }
0x6e: {  	_ =	swait.ge [sflag:s31], $0x2000  }
0x6f: {  	[sflag:s31] =	ssyncset.done $0x0  }
0x70: {  	s15 =	sadd.s32 s16, s9;
	s2 =	simm.s32 @!p0 $0xB;
	[sflag:s31] =	ssyncadd.s32 $0xFFFFE000  }
0x71: {  	[hbm4b:s15+s3] =	stream.linear.scatter [tilespmem:s25], [sflag:$0xF], $0x2000, $0x38;
	[tilespmem:$0x16400] =	vst v63  }
0x72: {  	_ =	swait.ge @!p0 [sflag:s2], $0x2000  }
0x73: {  	[sflag:s2] =	ssyncset.done @!p0 $0x0  }
0x74: {  	s0 =	sadd.s32 @!p0 $0x500, s0;
	[sflag:s2] =	ssyncadd.s32 @!p0 $0xFFFFE000;
	s2 =	simm.s32 @!p0 $0xA400  }
0x75: {  	[tilespmem:s2], [sflag:$0x3] =	stream.indirect.gather @!p0 [hbm4b:s4+s14], $0x40, s0, s14, $0xb8;
	[tilespmem:$0x16400] =	vst v63  }
.Ltmp2:
0x76: {  	_ = 	snop;
	(pc) =	sbr.rel @p0 .LBB2_4-.Ltmp2, $4  }
0x77: {  	_ =	swait.ge [sflag:s1], $0x2000  }
0x78: {  	[sflag:s1] =	ssyncset.done $0x0  }
0x79: {  	s15 =	sadd.s32 $0x1C00, s12;
	[sflag:s1] =	ssyncadd.s32 $0xFFFFE000  }
0x7a: {  	[hbm4b:s15+s3] =	stream.linear.scatter [tilespmem:s28], [sflag:$0x10], $0x2000, $0x38;
	[tilespmem:$0x16400] =	vst v63  }
.Ltmp3:
0x7b: {  	(pc) =	sbr.rel .LBB2_2-.Ltmp3, $4  }
0x7c: {  	_ =	swait.ge [sflag:s18], $0x2000  }
0x7d: {  	s0 =	sadd.s32 $0x580, s6;
	[sflag:s18] =	ssyncset.done $0x0  }
0x7e: {  	s5 =	sadd.s32 $0x1000, s5;
	s16 =	sadd.s32 $0x2000, s16;
	[sflag:s18] =	ssyncadd.s32 $0xFFFFE000  }
0x7f: {  	[tilespmem:s19], [sflag:$0x4] =	stream.indirect.gather [hbm4b:s4+s13], $0x40, s0, s13, $0xb8;
	[tilespmem:$0x16400] =	vst v63  }
.LBB2_5:
0x80: {  	_ =	sfence.sel $0x180000  }
0x81: {  	[bflag:$0x0] =	sbarrier.arrive $0xFFFF  }
0x82: {  	_ =	strace $0x90000047  }
0x83: {  	s0 =	stileid.u32;
	[bflag:$0x2] =	sbarrier.arrive $0xFFFF  }
0x84: {  	p0 =	sne.s32 s0, $0x0;
	s0 =	rddreg [dreg:$0x2]  }
0x85: {  	s0 =	sadd.s32 @!p0 $0x100000, s0  }
0x86: {  	[sflag:s0] =	ssyncadd.tile.s32 @!p0 $0x1;
	_ =	shalt  }
.Lfunc_end2:
_tile_overlayer_lowered:
.L_overlay_start_2:
0x87: {  	(tag) =	ssettag $0x2  }
0x88: {  	s0 =	rddreg [dreg:$0x0];
	s2 =	stileid.u32  }
0x89: {  	s1 =	rddreg [dreg:$0x1];
	p0 =	sne.s32 s2, $0x0  }
0x8a: {  	s3 =	rddreg [dreg:$0x2];
	[bflag:$0x3] =	sbarrier.arrive $0xFFFF;
	s2 =	simm.s32 @!p0 $0x1C11  }
0x8b: {  	[timem:s3], [sflag:s2] =	dma.local @!p0 [hbm:s0], s1  }
0x8c: {  	s0 =	simm.s32 @!p0 $0x11  }
0x8d: {  	_ =	swait.ge @!p0 [sflag:s0], s1  }
0x8e: {  	s1 =	ssub.s32 @!p0 $0x0, s1;
	[sflag:s0] =	ssyncset.done @!p0 $0x0  }
0x8f: {  	[sflag:s0] =	ssyncadd.s32 @!p0 s1  }
0x90: {  	[bflag:$0x3] =	sbarrier.arrive $0xFFFF  }
0x91: {  	_ =	shalt  }

// kernel: sparse-core-data-format-call.cloned.1.call-start
scs
called_computation_lowered:
.L_overlay_start_0:
0x0: {  	s2 =	sld [smem:$0x3FD9]  }
0x1: {  	s3 =	sld [smem:$0x3FFE];
	_ =	sdelay $0x1  }
0x2: {  	s1 =	srdreg.scid  }
0x3: {  	s0 =	sand.u32 $0x1, s1  }
0x4: {  	s18 =	sshll.u32 s0, $0xA;
	s2 =	sadd.s32 s3, s2  }
0x5: {  	s2 =	sadd.s32 s2, s18  }
0x6: {  	[smem:$0x3FC6] =	sst s2  }
0x7: {  	_ = 	snop  }
0x8: {  	s2 =	sld [smem:$0x3FD0];
	(tm) =	ssettm $0x1  }
0x9: {  	s19 =	sld [smem:$0x3FFB];
	_ =	sdelay $0x3  }
0xa: {  	_ =	strace s19  }
0xb: {  	s3 =	sld [smem:$0x3FFC];
	_ =	sdelay $0x3  }
0xc: {  	_ =	strace s3  }
0xd: {  	s3 =	sld [smem:$0x3FFD];
	_ =	sdelay $0x3  }
0xe: {  	_ =	strace s3  }
0xf: {  	_ =	strace $0x8FFFFFFF  }
0x10: {  	s20 =	sld [smem:$0x3FDB];
	_ =	sdelay $0x1  }
0x11: {  	s4 =	simm.s32 $_scs_section_size  }
0x12: {  	s5 =	simm.s32 $_size__tile_overlayer_lowered;
	s6 =	simm.s32 $_tile_overlayer_lowered  }
0x13: {  	s23 =	simm.s32 $0x1BFF;
	s22 =	sshll.u32 s6, $0x1;
	s3 =	sadd.s32 s4, s20  }
0x14: {  	s7 =	simm.s32 $0x0;
	s21 =	sshll.u32 s5, $0x1;
	s5 =	sadd.s32 s22, s3  }
0x15: {  	[timem:s7], [sflag:s23] =	dma.local [hbm:s5], s21  }
0x16: {  	_ =	swait.ge [sflag:s23], s21  }
0x17: {  	s4 =	ssub.s32 $0x0, s21;
	[sflag:s23] =	ssyncset.done $0x0  }
0x18: {  	[sflag:s23] =	ssyncadd.s32 s4;
	_ =	sdelay $0x1  }
0x19: {  	s24 =	simm.s32 $0x1B8B  }
0x1a: {  	_ =	swait.ge [sflag:s24], $0x1  }
0x1b: {  	[sflag:s24] =	ssyncset.done $0x0  }
0x1c: {  	s26 =	simm.s32 $0x1B8E;
	s25 =	sld [smem:$0x3FFE];
	[sflag:s24] =	ssyncadd.s32 $0xFFFFFFFF  }
0x1d: {  	s27 =	simm.s32 $execute0_lowered;
	[smem:$0x3FD2] =	sst s26  }
0x1e: {  	s5 =	sshll.u32 s27, $0x1;
	_ =	strace $0x80000049;
	[dreg:$0x1] =	wrdreg $0xFFFFFFFF  }
0x1f: {  	s28 =	simm.s32 $_size_execute0_lowered;
	s3 =	sadd.s32 s3, s5;
	[dreg:$0x0] =	wrdreg $0x0  }
0x20: {  	s5 =	sshll.u32 s28, $0x1;
	[dreg:$0x2] =	wrdreg s3  }
0x21: {  	[dreg:$0x3] =	wrdreg s5  }
0x22: {  	[dreg:$0x4] =	wrdreg $0xC0  }
0x23: {  	_ =	task [dreg:s7], $0x5FFFF  }
0x24: {  	[dreg:$0x1] =	wrdreg $0xFFFFFFFF  }
0x25: {  	[dreg:$0x0] =	wrdreg $0x60  }
0x26: {  	[dreg:$0x2] =	wrdreg s25  }
0x27: {  	[dreg:$0x3] =	wrdreg s2  }
0x28: {  	[dreg:$0x4] =	wrdreg $0x9  }
0x29: {  	_ =	task.clear_ibuf [dreg:s7], $0x5FFFF;
	_ =	strace $0x90000049  }
0x2a: {  	s29 =	simm.s32 $0x9;
	_ =	strace $0x8000004B  }
0x2b: {  	_ =	swait.ge [sflag:s29], $0x1  }
0x2c: {  	[sflag:s29] =	ssyncadd.s32 $0xFFFFFFFF  }
0x2d: {  	_ =	strace $0x9000004B  }
0x2e: {  	_ =	sfence  }
0x2f: {  	s30 =	sld [smem:$0x0];
	_ =	sdelay $0x2  }
0x30: {  	s31 =	sshll.u32 s1, $0xD;
	s1 =	sshrl.u32 s1, $0x2  }
0x31: {  	s3 =	sand.u32 $0x4000, s31;
	s1 =	sadd.s32 s1, s30  }
0x32: {  	s0 =	sor.u32 s3, s0;
	s1 =	sshll.u32 s1, $0x11  }
0x33: {  	s0 =	sor.u32 s1, s0  }
0x34: {  	s0 =	sadd.s32 $0x8F2B, s0  }
0x35: {  	[sflag:s0] =	ssyncadd.remote.s32 $0x1  }
0x36: {  	_ =	sfence.sel $0xFFFF  }
0x37: {  	[dreg:$0x0] =	wrdreg $0xFFFFFFFF;
	(pc) =	sbr.abs _section_cstart, $3  }
0x38: {  	[dreg:$0x1] =	wrdreg $0xFFFFFFFF  }
0x39: {  	_ =	task.clear_ibuf [dreg:s7], $0x2FFFF;
	_ =	strace $0x9FFFFFFF  }
0x3a: {  	(tm) =	ssettm $0x7FFFFFFF  }
0x3b: {  	_ =	shalt  }
tec
execute0_lowered:
.L_overlay_start_1:
0x0: {  	(tag) =	ssettag $0x1  }
0x1: {  	s0 =	srdreg.scid  }
0x2: {  	s1 =	sshll.u32 s0, $0x4  }
0x3: {  	s0 =	stileid.u32;
	s1 =	sand.u32 $0x10, s1  }
0x4: {  	s1 =	sor.u32 s0, s1  }
0x5: {  	s6 =	rddreg [dreg:$0x0];
	s4 =	simm.s32 $0x1;
	s2 =	sshll.u32 s1, $0x7  }
0x6: {  	s7 =	simm.s32 $0x2;
	s12 =	simm.s32 $0x0;
	s1 =	ssub.s32 $0x4000, s2  }
0x7: {  	s8 =	simm.s32 $0x20000;
	s13 =	simm.s32 $0x0;
	s3 =	sand.u32 $0xF80, s1  }
0x8: {  	s9 =	simm.s32 $0x0;
	s5 =	sshrl.u32 s1, $0xC;
	p0 =	sne.s32 s3, $0x0  }
.Ltmp0:
0x9: {  	s1 =	rddreg [dreg:$0x2];
	s4 =	simm.s32 @!p0 $0x0;
	(pc) =	sbr.rel .LBB1_1-.Ltmp0, $4  }
0xa: {  	s11 =	simm.s32 $0x0;
	s3 =	rddreg [dreg:$0x1];
	s5 =	sadd.s32 s4, s5  }
0xb: {  	_ =	strace $0x8000004A;
	s4 =	simm.s32 $0x1;
	s5 =	smul.u32 $0x32, s5  }
0xc: {  	s6 =	sadd.s32 $0xA00, s6;
	s10 =	smov.u32 s2;
	[sflag:s4] =	ssyncpa.u1 $0x0  }
0xd: {  	p0 =	por $0x0, $0x0;
	[sflag:s7] =	ssyncpa.u1 $0x0;
	s7 =	sor.u32 $0x1, s5  }
.LBB1_4:
0xe: {  	s16 =	sshll.u32 s13, $0x3;
	s17 =	sand.u32 $0x78, s13  }
0xf: {  	s30 =	sand.u32 $0x1F800, s13;
	s12 =	sshll.u32 s12, $0x11;
	s16 =	sand.u32 $0x3C00, s16  }
0x10: {  	[tilespmem:s15+$0x810 ss:$0x81] =	vst.msk $0xffff, v2;
	s31 =	sand.u32 $0x7, s13;
	s16 =	sor.u32 s17, s16;
	s17 =	sadd.s32 s3, s30  }
0x11: {  	[tilespmem:s15+$0x1020 ss:$0x81] =	vst.msk $0xffff, v0;
	s13 =	sshll.u32 s31, $0x12;
	s12 =	sadd.s32 s12, s17;
	s16 =	sshrl.u32 s16, $0x3  }
0x12: {  	[tilespmem:s15+$0x0 ss:$0x81] =	vst.msk $0xffff, v1;
	s13 =	sor.u32 $0x400, s13;
	s12 =	sadd.s32 s16, s12  }
0x13: {  	[hbm4b:s12+s13] =	stream.strided.scatter [tilespmem:s14], [sflag:$0x2], $0x2000, s8, s13, $0x20;
	[tilespmem:$0x8080] =	vst v63  }
.LBB1_5:
0x14: {  	s14 =	sadd.s32 $0x1, s9  }
0x15: {  	s12 =	sadd.s32 $0x1000, s10;
	s16 =	smov.u32 s10;
	p2 =	sgt.s32 s14, $0x31  }
0x16: {  	s16 =	smov.u32 @p2 s12  }
0x17: {  	s14 =	simm.s32 @p2 $0x0;
	p2 =	sgt.s32 s16, $0x3FFF  }
0x18: {  	s16 =	smov.u32 @p2 s2;
	p2 =	sne.s32 s11, s7  }
.Ltmp1:
0x19: {  	p1 =	slt.u32 s11, $0x2;
	(pc) =	sbr.rel @!p2 .LBB1_6-.Ltmp1, $4  }
0x1a: {  	s15 =	simm.s32 @!p1 $0x2  }
0x1b: {  	s13 =	smov.u32 s10;
	p0 =	por !p0, !p0;
	_ =	swait.ge @!p1 [sflag:s15], $0x2000  }
0x1c: {  	s12 =	smov.u32 s9;
	[sflag:s15] =	ssyncset.done @!p1 $0x0;
	s9 =	smov.u32 s14  }
0x1d: {  	s11 =	sadd.s32 $0x1, s11;
	[sflag:s15] =	ssyncadd.s32 @!p1 $0xFFFFE000;
	s10 =	smov.u32 s16  }
.LBB1_1:
0x1e: {  	p1 =	sge.u32 s11, s5  }
0x1f: {  	s14 =	sand.u32 @!p1 $0x1FFFFFF, s9  }
0x20: {  	s15 =	smulhi.u32 @!p1 $0x4924925, s14;
	_ =	sdelay $0x1  }
0x21: {  	s15 =	smul.u32 @!p1 $0x38, s15  }
0x22: {  	s16 =	sxor.u32 @!p1 $0xFFFFFFFF, s11;
	s17 =	smul.u32 @!p1 $0x380, s10  }
0x23: {  	s31 =	sadd.s32 $0xFFFFFFFF, s11;
	s16 =	sshll.u32 @!p1 s16, $0xD;
	s14 =	ssub.s32 @!p1 s14, s15  }
0x24: {  	s15 =	sand.u32 @!p1 $0x2000, s16;
	s16 =	sadd.s32 @!p1 s6, s17;
	s14 =	sshll.u32 @!p1 s14, $0x4  }
0x25: {  	s17 =	simm.s32 @!p1 $0x1C00;
	s14 =	sadd.s32 @!p1 s14, s16;
	s16 =	simm.s32 @!p1 $0x40  }
0x26: {  	[tilespmem:s15], [sflag:$0x1] =	stream.strided.gather @!p1 [hbm4b:s14+s16], $0x2000, s17, s16, $0x38;
	[tilespmem:$0x8080] =	vst v63  }
0x27: {  	p1 =	sge.u32 s31, s5  }
.Ltmp2:
0x28: {  	_ = 	snop;
	(pc) =	sbr.rel @p1 .LBB1_5-.Ltmp2, $1  }
0x29: {  	_ =	sdelay $0x3  }
0x2a: {  	s14 =	simm.s32 $0x1  }
0x2b: {  	_ =	swait.ge [sflag:s4], $0x2000;
	s14 =	simm.s32 @!p0 $0x0  }
0x2c: {  	[sflag:s4] =	ssyncset.done $0x0;
	s15 =	sshll.u32 s14, $0xD  }
0x2d: {  	[sflag:s4] =	ssyncadd.s32 $0xFFFFE000;
	s18 =	sor.u32 $0x20, s15  }
0x2e: {  	s14 =	smul.u32 $0x8100, s14;
	v3 =	vld [tilespmem:s18+$0x10]  }
0x2f: {  	s30 =	sand.u32 $0x1, s11;
	v2 =	vld [tilespmem:s18+$0xFFFFFFF0]  }
0x30: {  	s15 =	smul.u32 $0x8100, s30;
	s14 =	sshrl.u32 s14, $0x2;
	v0 =	vld [tilespmem:s18+$0x0]  }
0x31: {  	v1 =	vld [tilespmem:s18+$0xFFFFFFE0];
	s16 =	sor.u32 $0x4000, s14  }
0x32: {  	s31 =	sshrl.u32 s15, $0x2;
	s15 =	sadd.s32 $0x0, s16  }
0x33: {  	s17 =	simm.s32 $0x4;
	s18 =	sadd.s32 $0x40, s18;
	s14 =	sor.u32 $0x4000, s31;
	[tilespmem:s15+$0x1830 ss:$0x81] =	vst.msk $0xffff, v3  }
.LBB1_3:
0x34: {  	v3 =	vld [tilespmem:s18+$0x10];
	p1 =	sne.s32 s17, $0x1FC;
	[tilespmem:s15+$0x810 ss:$0x81] =	vst.msk $0xffff, v2;
	s19 =	smov.u32 s17;
	s17 =	sadd.s32 $0x4, s17  }
.Ltmp3:
0x35: {  	v2 =	vld [tilespmem:s18+$0xFFFFFFF0];
	[tilespmem:s15+$0x1020 ss:$0x81] =	vst.msk $0xffff, v0;
	(pc) =	sbr.rel @p1 .LBB1_3-.Ltmp3, $4  }
0x36: {  	v0 =	vld [tilespmem:s18+$0x0];
	[tilespmem:s15+$0x0 ss:$0x81] =	vst.msk $0xffff, v1  }
0x37: {  	s15 =	sshra.s32 s19, $0x2;
	v1 =	vld [tilespmem:s18+$0xFFFFFFE0]  }
0x38: {  	s15 =	sadd.s32 s15, s16  }
0x39: {  	s18 =	sadd.s32 $0x40, s18;
	[tilespmem:s15+$0x1830 ss:$0x81] =	vst.msk $0xffff, v3  }
.Ltmp4:
0x3a: {  	_ = 	snop;
	(pc) =	sbr.rel .LBB1_4-.Ltmp4, $1  }
0x3b: {  	_ =	sdelay $0x3  }
.LBB1_6:
0x3c: {  	_ =	sfence.sel $0x180000  }
0x3d: {  	s2 =	simm.s32 $0x1;
	[bflag:$0x0] =	sbarrier.arrive $0xFFFF  }
0x3e: {  	s31 =	simm.s32 $0x2;
	[sflag:s2] =	ssyncpa.u1 $0x1  }
0x3f: {  	[sflag:s31] =	ssyncpa.u1 $0x1  }
0x40: {  	p0 =	sne.s32 s0, $0x0;
	_ =	strace $0x9000004A  }
0x41: {  	s0 =	sadd.s32 @!p0 $0x100000, s1;
	[bflag:$0x2] =	sbarrier.arrive $0xFFFF  }
0x42: {  	[sflag:s0] =	ssyncadd.tile.s32 @!p0 $0x1;
	_ =	shalt  }
.Lfunc_end1:
_tile_overlayer_lowered:
.L_overlay_start_2:
0x43: {  	(tag) =	ssettag $0x2  }
0x44: {  	s0 =	rddreg [dreg:$0x0];
	s2 =	stileid.u32  }
0x45: {  	s1 =	rddreg [dreg:$0x1];
	p0 =	sne.s32 s2, $0x0  }
0x46: {  	s3 =	rddreg [dreg:$0x2];
	[bflag:$0x3] =	sbarrier.arrive $0xFFFF;
	s2 =	simm.s32 @!p0 $0x1C01  }
0x47: {  	[timem:s3], [sflag:s2] =	dma.local @!p0 [hbm:s0], s1  }
0x48: {  	s0 =	simm.s32 @!p0 $0x1  }
0x49: {  	_ =	swait.ge @!p0 [sflag:s0], s1  }
0x4a: {  	s1 =	ssub.s32 @!p0 $0x0, s1;
	[sflag:s0] =	ssyncset.done @!p0 $0x0  }
0x4b: {  	[sflag:s0] =	ssyncadd.s32 @!p0 s1  }
0x4c: {  	[bflag:$0x3] =	sbarrier.arrive $0xFFFF  }
0x4d: {  	_ =	shalt  }

</sc_bundles>
